<compile_context>
chip_gen: v7x
topology: tpu7x:2x2x1
jax: 0.10.2.dev20260603
libtpu: 0.0.44.dev20260713+nightly
codegen_flags: <defaults>
</compile_context>

<pallas_src>
import functools

import jax
import jax.numpy as jnp
from jax import lax
from jax.experimental import pallas as pl
from jax.experimental.pallas import tpu as pltpu
from jax.experimental.pallas import tpu_sc as plsc

_NC = 2
_NS = 16
_NW = _NC * _NS
_BPW = 128
_LANES = 16


@functools.lru_cache(maxsize=None)
def _make_format(n_words, word_dim):
    assert word_dim == 64
    n_full = n_words // 128
    assert n_words % 128 == 64
    n_loop = (n_full // _NW) & ~1
    n_rem = n_full - n_loop * _NW
    assert n_rem < _NW
    mesh = plsc.VectorSubcoreMesh(core_axis_name="c", subcore_axis_name="s")

    @functools.partial(
        pl.kernel,
        mesh=mesh,
        compiler_params=pltpu.CompilerParams(
            use_tc_tiling_on_sc=True, needs_layout_passes=False),
        out_type=jax.ShapeDtypeStruct((n_words // 2 + 32, 2 * word_dim),
                                      jnp.float32),
        scratch_types=[
            pltpu.VMEM((word_dim, 128), jnp.float32),
            pltpu.VMEM((word_dim, 128), jnp.float32),
            pltpu.VMEM((word_dim, 128), jnp.float32),
            pltpu.VMEM((word_dim, 128), jnp.float32),
            pltpu.VMEM((32, 2 * word_dim), jnp.float32),
            pltpu.SemaphoreType.DMA,
            pltpu.SemaphoreType.DMA,
            pltpu.SemaphoreType.DMA,
            pltpu.SemaphoreType.DMA,
        ],
    )
    def fmt_kernel(wt_hbm, tail_hbm, tbl_hbm,
                   s0, s1, o0, o1, tailv, gs0, gs1, os0, os1):
        wid = lax.axis_index("s") * _NC + lax.axis_index("c")
        sbuf = (s0, s1)
        obuf = (o0, o1)
        gsem = (gs0, gs1)
        osem = (os0, os1)

        def g_start(j, b):
            pltpu.async_copy(
                wt_hbm.at[:, pl.ds((wid + j * _NW) * 128, 128)],
                sbuf[b], gsem[b])

        def g_wait(b):
            pltpu.make_async_copy(
                wt_hbm.at[:, pl.ds(0, 128)], sbuf[b], gsem[b]).wait()

        def w_start(j, b):
            pltpu.async_copy(
                obuf[b], tbl_hbm.at[pl.ds((wid + j * _NW) * 64, 64)], osem[b])

        def w_wait(b):
            pltpu.make_async_copy(
                obuf[b], tbl_hbm.at[pl.ds(0, 64)], osem[b]).wait()

        iota = lax.iota(jnp.int32, _LANES)
        qv = iota >> 1
        hv64 = (iota & 1) << 6

        def transpose(b):
            s, o = sbuf[b], obuf[b]

            def dbody(d0, c):
                dvec = (d0 + iota) & (word_dim - 1)
                dcol = hv64 + dvec
                vecs = [plsc.load_gather(s, [dvec, iota + 2 * q0])
                        for q0 in range(0, 64, 8)]
                for k, q0 in enumerate(range(0, 64, 8)):
                    plsc.store_scatter(o, [qv + q0, dcol], vecs[k])
                return c

            lax.fori_loop(0, word_dim, dbody, 0, unroll=2)

        g_start(0, 0)
        g_start(1, 1)

        def body(i, carry):
            for b in range(2):
                j = i * 2 + b
                g_wait(b)

                @pl.when(i >= 1)
                def _():
                    w_wait(b)
                transpose(b)
                w_start(j, b)

                @pl.when(j + 2 < n_loop)
                def _():
                    g_start(j + 2, b)
            return carry

        lax.fori_loop(0, n_loop // 2, body, 0)

        @pl.when(wid < n_rem)
        def _():
            g_start(n_loop, 0)
            g_wait(0)
            w_wait(0)
            transpose(0)
            w_start(n_loop, 0)

        @pl.when(wid == n_rem)
        def _():
            pltpu.sync_copy(tail_hbm, tailv)
            pltpu.sync_copy(tailv, tbl_hbm.at[pl.ds(n_full * 64, 32)])

        w_wait(0)
        w_wait(1)

    return fmt_kernel


@functools.lru_cache(maxsize=None)
def _make_gather(seq, word_dim, n_rows):
    assert word_dim % 8 == 0 and word_dim & (word_dim - 1) == 0
    assert seq % 2 == 0 and seq >= 6
    dq = word_dim // 8
    mesh = plsc.VectorSubcoreMesh(core_axis_name="c", subcore_axis_name="s")

    @functools.partial(
        pl.kernel,
        mesh=mesh,
        compiler_params=pltpu.CompilerParams(
            use_tc_tiling_on_sc=False, needs_layout_passes=False),
        out_type=jax.ShapeDtypeStruct((seq, dq, _NW, 8 * _BPW), jnp.float32),
        scratch_types=[
            pltpu.VMEM((seq, _BPW), jnp.int32),
            pltpu.VMEM((_BPW, word_dim), jnp.float32),
            pltpu.VMEM((_BPW, word_dim), jnp.float32),
            pltpu.VMEM((dq, 8 * _BPW), jnp.float32),
            pltpu.VMEM((dq, 8 * _BPW), jnp.float32),
            pltpu.SemaphoreType.DMA,
            pltpu.SemaphoreType.DMA,
            pltpu.SemaphoreType.DMA,
            pltpu.SemaphoreType.DMA,
        ],
    )
    def gather_kernel(table_hbm, idx_hbm, out_hbm,
                      idx_v, g0, g1, t0, t1, gs0, gs1, os0, os1):
        wid = lax.axis_index("s") * _NC + lax.axis_index("c")
        pltpu.sync_copy(idx_hbm.at[wid], idx_v)
        gbuf = (g0, g1)
        tbuf = (t0, t1)
        gsem = (gs0, gs1)
        osem = (os0, os1)

        def g_start(s, b):
            pltpu.async_copy(table_hbm.at[idx_v.at[s]], gbuf[b], gsem[b])

        def g_wait(b):
            pltpu.make_async_copy(
                table_hbm.at[idx_v.at[0]], gbuf[b], gsem[b]).wait()

        def w_start(s, b):
            pltpu.async_copy(tbuf[b], out_hbm.at[s, :, wid], osem[b])

        def w_wait(b):
            pltpu.make_async_copy(
                tbuf[b], out_hbm.at[0, :, wid], osem[b]).wait()

        iota = lax.iota(jnp.int32, _LANES)
        rows_c = [iota + (r0 * _LANES) for r0 in range(_BPW // _LANES)]

        def transpose(s, b):
            g, t = gbuf[b], tbuf[b]

            def dbody(d0, c):
                dvec = (d0 + iota) & (word_dim - 1)
                trow = dvec >> 3
                tcolb = (dvec & 7) << 7
                vecs = [plsc.load_gather(g, [rows_c[r0], dvec])
                        for r0 in range(_BPW // _LANES)]
                for r0 in range(_BPW // _LANES):
                    plsc.store_scatter(t, [trow, tcolb + rows_c[r0]], vecs[r0])
                return c

            lax.fori_loop(0, word_dim, dbody, 0, unroll=2)

        g_start(0, 0)
        g_start(1, 1)

        def body(i, carry):
            s0 = i * 2
            for b in range(2):
                s = s0 + b
                g_wait(b)
                @pl.when(s0 >= 2)
                def _():
                    w_wait(b)
                transpose(s, b)
                w_start(s, b)
                @pl.when(s0 + 2 < seq)
                def _():
                    g_start(s + 2, b)
            return carry

        lax.fori_loop(0, seq // 2, body, 0)
        w_wait(0)
        w_wait(1)

    return gather_kernel


def kernel(sent, W):
    batch, seq = sent.shape
    n_words, word_dim = W.shape
    assert batch == _NW * _BPW
    idx = sent.astype(jnp.int32).reshape(_NW, _BPW, seq).transpose(0, 2, 1)
    tail = W[n_words - n_words % 128:].reshape(-1, 2 * word_dim)
    table = _make_format(n_words, word_dim)(W.T, tail)
    table = table.reshape(-1, word_dim)
    y = _make_gather(seq, word_dim, table.shape[0])(table, idx)
    y = y.reshape(seq, word_dim // 8, _NW, 8, _BPW)
    return y.transpose(2, 4, 0, 1, 3).reshape(batch, seq, word_dim)

# --- scband reference (transcript-rebuilt; emitter-appended) ---
"""Pipeline reference for scband-encode-sentence-41059887349907 (READ-ONLY COPY).

The authoritative reference and input builder live on the scoring server;
editing this copy changes nothing except your own understanding.
"""

import jax, jax.numpy as jnp
import numpy as np

N_WORDS = 1000000
WORD_DIM = 64
BATCH = 4096
SEQ = 200

def setup_inputs(seed: int = 0) -> dict:
    key = jax.random.key(seed)
    k1, k2 = jax.random.split(key)
    sent = jax.random.randint(k1, (BATCH, SEQ), 0, N_WORDS, dtype=jnp.int64 if jax.config.jax_enable_x64 else jnp.int32)
    W = jax.random.normal(k2, (N_WORDS, WORD_DIM), dtype=jnp.float32)
    # padding_idx=0: row 0 is zeros (as in nn.Embedding(padding_idx=0))
    W = W.at[0].set(0.0)
    return {"sent": sent, "W": W}

def reference(sent, W):
    # EncodeSentence.forward with use_lstm=False: embedding lookup only
    sent_embed = jnp.take(W, sent, axis=0)
    return sent_embed

if __name__ == "__main__":
    import jax
    _d = setup_inputs()
    print(jax.jit(kernel)(*tuple(_d.values())))

</pallas_src>

<mosaic_0001>
#map = affine_map<(d0, d1) -> (0, 0)>
module attributes {stable_mosaic.version = 14 : i64} {
  func.func @fmt_kernel(%arg0: i32, %arg1: i32, %arg2: memref<64x1000000xf32, #tpu.memory_space<hbm>>, %arg3: memref<32x128xf32, #tpu.memory_space<hbm>>, %arg4: memref<500032x128xf32, #tpu.memory_space<hbm>>, %arg5: memref<64x128xf32, #tpu.memory_space<vmem>>, %arg6: memref<64x128xf32, #tpu.memory_space<vmem>>, %arg7: memref<64x128xf32, #tpu.memory_space<vmem>>, %arg8: memref<64x128xf32, #tpu.memory_space<vmem>>, %arg9: memref<32x128xf32, #tpu.memory_space<vmem>>, %arg10: memref<!tpu.dma_semaphore, #tpu.memory_space<semaphore_mem>>, %arg11: memref<!tpu.dma_semaphore, #tpu.memory_space<semaphore_mem>>, %arg12: memref<!tpu.dma_semaphore, #tpu.memory_space<semaphore_mem>>, %arg13: memref<!tpu.dma_semaphore, #tpu.memory_space<semaphore_mem>>) attributes {dimension_semantics = [#tpu.dimension_semantics<core_parallel>, #tpu.dimension_semantics<subcore_parallel>], iteration_bounds = array<i64: 2, 16>, scalar_prefetch = 0 : i64, scratch_operands = 9 : i64, tpu.core_type = #tpu.core_type<sc_vector_subcore>, window_params = [{transform_indices = #map}, {transform_indices = #map}, {transform_indices = #map}]} {
    %mul3A = arith.constant 2 : i32
    %mul3A_0 = arith.muli %arg1, %mul3A : i32
    %add3A = arith.addi %mul3A_0, %arg0 : i32
    %iota3A = tpu.iota {dimensions = array<i32: 0>} : vector<16xi32>
    %shift_right_arithmetic3A = arith.constant 1 : i32
    %shift_right_arithmetic3A_1 = vector.broadcast %shift_right_arithmetic3A : i32 to vector<16xi32>
    %shift_right_arithmetic3A_2 = arith.shrsi %iota3A, %shift_right_arithmetic3A_1 : vector<16xi32>
    %and3A = arith.constant 1 : i32
    %and3A_3 = vector.broadcast %and3A : i32 to vector<16xi32>
    %and3A_4 = arith.andi %iota3A, %and3A_3 : vector<16xi32>
    %shift_left3A = arith.constant 6 : i32
    %shift_left3A_5 = vector.broadcast %shift_left3A : i32 to vector<16xi32>
    %shift_left3A_6 = arith.shli %and3A_4, %shift_left3A_5 : vector<16xi32>
    %add3A_7 = arith.constant 0 : i32
    %add3A_8 = arith.addi %add3A, %add3A_7 : i32
    %mul3A_9 = arith.constant 128 : i32
    %mul3A_10 = arith.muli %add3A_8, %mul3A_9 : i32
    %dma_start3A = arith.constant 0 : i32
    %dma_start3A_11 = tpu.memref_slice %arg2[%dma_start3A, %mul3A_10] : memref<64x1000000xf32, #tpu.memory_space<hbm>> -> memref<64x128xf32, #tpu.memory_space<hbm>>
    %dma_start3A_12 = arith.constant 0 : i32
    %dma_start3A_13 = tpu.memref_slice %arg2[%dma_start3A_12, %mul3A_10] : memref<64x1000000xf32, #tpu.memory_space<hbm>> -> memref<64x128xf32, #tpu.memory_space<hbm>>
    tpu.enqueue_dma source(%dma_start3A_13 : memref<64x128xf32, #tpu.memory_space<hbm>>) target(%arg5 : memref<64x128xf32, #tpu.memory_space<vmem>>) target_semaphore(%arg10 : memref<!tpu.dma_semaphore, #tpu.memory_space<semaphore_mem>>)
    %add3A_14 = arith.constant 32 : i32
    %add3A_15 = arith.addi %add3A, %add3A_14 : i32
    %mul3A_16 = arith.constant 128 : i32
    %mul3A_17 = arith.muli %add3A_15, %mul3A_16 : i32
    %dma_start3A_18 = arith.constant 0 : i32
    %dma_start3A_19 = tpu.memref_slice %arg2[%dma_start3A_18, %mul3A_17] : memref<64x1000000xf32, #tpu.memory_space<hbm>> -> memref<64x128xf32, #tpu.memory_space<hbm>>
    %dma_start3A_20 = arith.constant 0 : i32
    %dma_start3A_21 = tpu.memref_slice %arg2[%dma_start3A_20, %mul3A_17] : memref<64x1000000xf32, #tpu.memory_space<hbm>> -> memref<64x128xf32, #tpu.memory_space<hbm>>
    tpu.enqueue_dma source(%dma_start3A_21 : memref<64x128xf32, #tpu.memory_space<hbm>>) target(%arg6 : memref<64x128xf32, #tpu.memory_space<vmem>>) target_semaphore(%arg11 : memref<!tpu.dma_semaphore, #tpu.memory_space<semaphore_mem>>)
    %scan3A = arith.constant 0 : i32
    %scan3A_22 = arith.constant 0 : i32
    %scan3A_23 = arith.constant 122 : i32
    %scan3A_24 = arith.addi %scan3A_22, %scan3A_23 : i32
    %scan3A_25 = arith.constant 1 : i32
    scf.for %scan3A_44 = %scan3A_22 to %scan3A_24 step %scan3A_25  : i32 {
      %mul3A_45 = arith.constant 2 : i32
      %mul3A_46 = arith.muli %scan3A_44, %mul3A_45 : i32
      %add3A_47 = arith.constant 0 : i32
      %add3A_48 = arith.addi %mul3A_46, %add3A_47 : i32
      %dma_wait3A_49 = arith.constant 0 : i32
      %dma_wait3A_50 = arith.constant 0 : i32
      %dma_wait3A_51 = tpu.memref_slice %arg2[%dma_wait3A_49, %dma_wait3A_50] : memref<64x1000000xf32, #tpu.memory_space<hbm>> -> memref<64x128xf32, #tpu.memory_space<hbm>>
      %dma_wait3A_52 = arith.constant 0 : i32
      %dma_wait3A_53 = arith.constant 0 : i32
      %dma_wait3A_54 = tpu.memref_slice %arg2[%dma_wait3A_52, %dma_wait3A_53] : memref<64x1000000xf32, #tpu.memory_space<hbm>> -> memref<64x128xf32, #tpu.memory_space<hbm>>
      tpu.wait_dma2 semaphore(%arg10 : memref<!tpu.dma_semaphore, #tpu.memory_space<semaphore_mem>>) src(%dma_wait3A_54 : memref<64x128xf32, #tpu.memory_space<hbm>>) dst(%arg5 : memref<64x128xf32, #tpu.memory_space<vmem>>)
      %ge3A = arith.constant 1 : i32
      %ge3A_55 = arith.cmpi sge, %scan3A_44, %ge3A : i32
      %convert_element_type3A_56 = arith.extui %ge3A_55 : i1 to i32
      %cond3A_57 = arith.constant 0 : i32
      %cond3A_58 = arith.cmpi ne, %convert_element_type3A_56, %cond3A_57 : i32
      scf.if %cond3A_58 {
        %dma_wait3A_118 = arith.constant 0 : i32
        %dma_wait3A_119 = arith.constant 0 : i32
        %dma_wait3A_120 = tpu.memref_slice %arg4[%dma_wait3A_118, %dma_wait3A_119] : memref<500032x128xf32, #tpu.memory_space<hbm>> -> memref<64x128xf32, #tpu.memory_space<hbm>>
        %dma_wait3A_121 = arith.constant 0 : i32
        %dma_wait3A_122 = arith.constant 0 : i32
        %dma_wait3A_123 = tpu.memref_slice %arg4[%dma_wait3A_121, %dma_wait3A_122] : memref<500032x128xf32, #tpu.memory_space<hbm>> -> memref<64x128xf32, #tpu.memory_space<hbm>>
        tpu.wait_dma2 semaphore(%arg12 : memref<!tpu.dma_semaphore, #tpu.memory_space<semaphore_mem>>) src(%arg7 : memref<64x128xf32, #tpu.memory_space<vmem>>) dst(%dma_wait3A_123 : memref<64x128xf32, #tpu.memory_space<hbm>>)
      } else {
      }
      %scan3A_59 = arith.constant 0 : i32
      %scan3A_60 = arith.constant 0 : i32
      %scan3A_61 = arith.constant 64 : i32
      %scan3A_62 = arith.addi %scan3A_60, %scan3A_61 : i32
      %scan3A_63 = arith.constant 2 : i32
      scf.for %scan3A_118 = %scan3A_60 to %scan3A_62 step %scan3A_63  : i32 {
        %add3A_119 = vector.broadcast %scan3A_118 : i32 to vector<16xi32>
        %add3A_120 = arith.addi %add3A_119, %iota3A : vector<16xi32>
        %and3A_121 = arith.constant 63 : i32
        %and3A_122 = vector.broadcast %and3A_121 : i32 to vector<16xi32>
        %and3A_123 = arith.andi %add3A_120, %and3A_122 : vector<16xi32>
        %add3A_124 = arith.addi %shift_left3A_6, %and3A_123 : vector<16xi32>
        %add3A_125 = arith.constant 0 : i32
        %add3A_126 = vector.broadcast %add3A_125 : i32 to vector<16xi32>
        %add3A_127 = arith.addi %iota3A, %add3A_126 : vector<16xi32>
        %gather3A = tpu.vector_load_idx %arg5[%and3A_123, %add3A_127] : memref<64x128xf32, #tpu.memory_space<vmem>>[vector<16xi32>, vector<16xi32>], vector<16xf32>,
        %add3A_128 = arith.constant 16 : i32
        %add3A_129 = vector.broadcast %add3A_128 : i32 to vector<16xi32>
        %add3A_130 = arith.addi %iota3A, %add3A_129 : vector<16xi32>
        %gather3A_131 = tpu.vector_load_idx %arg5[%and3A_123, %add3A_130] : memref<64x128xf32, #tpu.memory_space<vmem>>[vector<16xi32>, vector<16xi32>], vector<16xf32>,
        %add3A_132 = arith.constant 32 : i32
        %add3A_133 = vector.broadcast %add3A_132 : i32 to vector<16xi32>
        %add3A_134 = arith.addi %iota3A, %add3A_133 : vector<16xi32>
        %gather3A_135 = tpu.vector_load_idx %arg5[%and3A_123, %add3A_134] : memref<64x128xf32, #tpu.memory_space<vmem>>[vector<16xi32>, vector<16xi32>], vector<16xf32>,
        %add3A_136 = arith.constant 48 : i32
        %add3A_137 = vector.broadcast %add3A_136 : i32 to vector<16xi32>
        %add3A_138 = arith.addi %iota3A, %add3A_137 : vector<16xi32>
        %gather3A_139 = tpu.vector_load_idx %arg5[%and3A_123, %add3A_138] : memref<64x128xf32, #tpu.memory_space<vmem>>[vector<16xi32>, vector<16xi32>], vector<16xf32>,
        %add3A_140 = arith.constant 64 : i32
        %add3A_141 = vector.broadcast %add3A_140 : i32 to vector<16xi32>
        %add3A_142 = arith.addi %iota3A, %add3A_141 : vector<16xi32>
        %gather3A_143 = tpu.vector_load_idx %arg5[%and3A_123, %add3A_142] : memref<64x128xf32, #tpu.memory_space<vmem>>[vector<16xi32>, vector<16xi32>], vector<16xf32>,
        %add3A_144 = arith.constant 80 : i32
        %add3A_145 = vector.broadcast %add3A_144 : i32 to vector<16xi32>
        %add3A_146 = arith.addi %iota3A, %add3A_145 : vector<16xi32>
        %gather3A_147 = tpu.vector_load_idx %arg5[%and3A_123, %add3A_146] : memref<64x128xf32, #tpu.memory_space<vmem>>[vector<16xi32>, vector<16xi32>], vector<16xf32>,
        %add3A_148 = arith.constant 96 : i32
        %add3A_149 = vector.broadcast %add3A_148 : i32 to vector<16xi32>
        %add3A_150 = arith.addi %iota3A, %add3A_149 : vector<16xi32>
        %gather3A_151 = tpu.vector_load_idx %arg5[%and3A_123, %add3A_150] : memref<64x128xf32, #tpu.memory_space<vmem>>[vector<16xi32>, vector<16xi32>], vector<16xf32>,
        %add3A_152 = arith.constant 112 : i32
        %add3A_153 = vector.broadcast %add3A_152 : i32 to vector<16xi32>
        %add3A_154 = arith.addi %iota3A, %add3A_153 : vector<16xi32>
        %gather3A_155 = tpu.vector_load_idx %arg5[%and3A_123, %add3A_154] : memref<64x128xf32, #tpu.memory_space<vmem>>[vector<16xi32>, vector<16xi32>], vector<16xf32>,
        %add3A_156 = arith.constant 0 : i32
        %add3A_157 = vector.broadcast %add3A_156 : i32 to vector<16xi32>
        %add3A_158 = arith.addi %shift_right_arithmetic3A_2, %add3A_157 : vector<16xi32>
        tpu.vector_store_idx %arg7[%add3A_158, %add3A_124], %gather3A : memref<64x128xf32, #tpu.memory_space<vmem>>[vector<16xi32>, vector<16xi32>], vector<16xf32>,
        %add3A_159 = arith.constant 8 : i32
        %add3A_160 = vector.broadcast %add3A_159 : i32 to vector<16xi32>
        %add3A_161 = arith.addi %shift_right_arithmetic3A_2, %add3A_160 : vector<16xi32>
        tpu.vector_store_idx %arg7[%add3A_161, %add3A_124], %gather3A_131 : memref<64x128xf32, #tpu.memory_space<vmem>>[vector<16xi32>, vector<16xi32>], vector<16xf32>,
        %add3A_162 = arith.constant 16 : i32
        %add3A_163 = vector.broadcast %add3A_162 : i32 to vector<16xi32>
        %add3A_164 = arith.addi %shift_right_arithmetic3A_2, %add3A_163 : vector<16xi32>
        tpu.vector_store_idx %arg7[%add3A_164, %add3A_124], %gather3A_135 : memref<64x128xf32, #tpu.memory_space<vmem>>[vector<16xi32>, vector<16xi32>], vector<16xf32>,
        %add3A_165 = arith.constant 24 : i32
        %add3A_166 = vector.broadcast %add3A_165 : i32 to vector<16xi32>
        %add3A_167 = arith.addi %shift_right_arithmetic3A_2, %add3A_166 : vector<16xi32>
        tpu.vector_store_idx %arg7[%add3A_167, %add3A_124], %gather3A_139 : memref<64x128xf32, #tpu.memory_space<vmem>>[vector<16xi32>, vector<16xi32>], vector<16xf32>,
        %add3A_168 = arith.constant 32 : i32
        %add3A_169 = vector.broadcast %add3A_168 : i32 to vector<16xi32>
        %add3A_170 = arith.addi %shift_right_arithmetic3A_2, %add3A_169 : vector<16xi32>
        tpu.vector_store_idx %arg7[%add3A_170, %add3A_124], %gather3A_143 : memref<64x128xf32, #tpu.memory_space<vmem>>[vector<16xi32>, vector<16xi32>], vector<16xf32>,
        %add3A_171 = arith.constant 40 : i32
        %add3A_172 = vector.broadcast %add3A_171 : i32 to vector<16xi32>
        %add3A_173 = arith.addi %shift_right_arithmetic3A_2, %add3A_172 : vector<16xi32>
        tpu.vector_store_idx %arg7[%add3A_173, %add3A_124], %gather3A_147 : memref<64x128xf32, #tpu.memory_space<vmem>>[vector<16xi32>, vector<16xi32>], vector<16xf32>,
        %add3A_174 = arith.constant 48 : i32
        %add3A_175 = vector.broadcast %add3A_174 : i32 to vector<16xi32>
        %add3A_176 = arith.addi %shift_right_arithmetic3A_2, %add3A_175 : vector<16xi32>
        tpu.vector_store_idx %arg7[%add3A_176, %add3A_124], %gather3A_151 : memref<64x128xf32, #tpu.memory_space<vmem>>[vector<16xi32>, vector<16xi32>], vector<16xf32>,
        %add3A_177 = arith.constant 56 : i32
        %add3A_178 = vector.broadcast %add3A_177 : i32 to vector<16xi32>
        %add3A_179 = arith.addi %shift_right_arithmetic3A_2, %add3A_178 : vector<16xi32>
        tpu.vector_store_idx %arg7[%add3A_179, %add3A_124], %gather3A_155 : memref<64x128xf32, #tpu.memory_space<vmem>>[vector<16xi32>, vector<16xi32>], vector<16xf32>,
        %scan3A_180 = arith.constant 1 : i32
        %scan3A_181 = arith.addi %scan3A_118, %scan3A_180 : i32
        %add3A_182 = vector.broadcast %scan3A_181 : i32 to vector<16xi32>
        %add3A_183 = arith.addi %add3A_182, %iota3A : vector<16xi32>
        %and3A_184 = arith.constant 63 : i32
        %and3A_185 = vector.broadcast %and3A_184 : i32 to vector<16xi32>
        %and3A_186 = arith.andi %add3A_183, %and3A_185 : vector<16xi32>
        %add3A_187 = arith.addi %shift_left3A_6, %and3A_186 : vector<16xi32>
        %add3A_188 = arith.constant 0 : i32
        %add3A_189 = vector.broadcast %add3A_188 : i32 to vector<16xi32>
        %add3A_190 = arith.addi %iota3A, %add3A_189 : vector<16xi32>
        %gather3A_191 = tpu.vector_load_idx %arg5[%and3A_186, %add3A_190] : memref<64x128xf32, #tpu.memory_space<vmem>>[vector<16xi32>, vector<16xi32>], vector<16xf32>,
        %add3A_192 = arith.constant 16 : i32
        %add3A_193 = vector.broadcast %add3A_192 : i32 to vector<16xi32>
        %add3A_194 = arith.addi %iota3A, %add3A_193 : vector<16xi32>
        %gather3A_195 = tpu.vector_load_idx %arg5[%and3A_186, %add3A_194] : memref<64x128xf32, #tpu.memory_space<vmem>>[vector<16xi32>, vector<16xi32>], vector<16xf32>,
        %add3A_196 = arith.constant 32 : i32
        %add3A_197 = vector.broadcast %add3A_196 : i32 to vector<16xi32>
        %add3A_198 = arith.addi %iota3A, %add3A_197 : vector<16xi32>
        %gather3A_199 = tpu.vector_load_idx %arg5[%and3A_186, %add3A_198] : memref<64x128xf32, #tpu.memory_space<vmem>>[vector<16xi32>, vector<16xi32>], vector<16xf32>,
        %add3A_200 = arith.constant 48 : i32
        %add3A_201 = vector.broadcast %add3A_200 : i32 to vector<16xi32>
        %add3A_202 = arith.addi %iota3A, %add3A_201 : vector<16xi32>
        %gather3A_203 = tpu.vector_load_idx %arg5[%and3A_186, %add3A_202] : memref<64x128xf32, #tpu.memory_space<vmem>>[vector<16xi32>, vector<16xi32>], vector<16xf32>,
        %add3A_204 = arith.constant 64 : i32
        %add3A_205 = vector.broadcast %add3A_204 : i32 to vector<16xi32>
        %add3A_206 = arith.addi %iota3A, %add3A_205 : vector<16xi32>
        %gather3A_207 = tpu.vector_load_idx %arg5[%and3A_186, %add3A_206] : memref<64x128xf32, #tpu.memory_space<vmem>>[vector<16xi32>, vector<16xi32>], vector<16xf32>,
        %add3A_208 = arith.constant 80 : i32
        %add3A_209 = vector.broadcast %add3A_208 : i32 to vector<16xi32>
        %add3A_210 = arith.addi %iota3A, %add3A_209 : vector<16xi32>
        %gather3A_211 = tpu.vector_load_idx %arg5[%and3A_186, %add3A_210] : memref<64x128xf32, #tpu.memory_space<vmem>>[vector<16xi32>, vector<16xi32>], vector<16xf32>,
        %add3A_212 = arith.constant 96 : i32
        %add3A_213 = vector.broadcast %add3A_212 : i32 to vector<16xi32>
        %add3A_214 = arith.addi %iota3A, %add3A_213 : vector<16xi32>
        %gather3A_215 = tpu.vector_load_idx %arg5[%and3A_186, %add3A_214] : memref<64x128xf32, #tpu.memory_space<vmem>>[vector<16xi32>, vector<16xi32>], vector<16xf32>,
        %add3A_216 = arith.constant 112 : i32
        %add3A_217 = vector.broadcast %add3A_216 : i32 to vector<16xi32>
        %add3A_218 = arith.addi %iota3A, %add3A_217 : vector<16xi32>
        %gather3A_219 = tpu.vector_load_idx %arg5[%and3A_186, %add3A_218] : memref<64x128xf32, #tpu.memory_space<vmem>>[vector<16xi32>, vector<16xi32>], vector<16xf32>,
        %add3A_220 = arith.constant 0 : i32
        %add3A_221 = vector.broadcast %add3A_220 : i32 to vector<16xi32>
        %add3A_222 = arith.addi %shift_right_arithmetic3A_2, %add3A_221 : vector<16xi32>
        tpu.vector_store_idx %arg7[%add3A_222, %add3A_187], %gather3A_191 : memref<64x128xf32, #tpu.memory_space<vmem>>[vector<16xi32>, vector<16xi32>], vector<16xf32>,
        %add3A_223 = arith.constant 8 : i32
        %add3A_224 = vector.broadcast %add3A_223 : i32 to vector<16xi32>
        %add3A_225 = arith.addi %shift_right_arithmetic3A_2, %add3A_224 : vector<16xi32>
        tpu.vector_store_idx %arg7[%add3A_225, %add3A_187], %gather3A_195 : memref<64x128xf32, #tpu.memory_space<vmem>>[vector<16xi32>, vector<16xi32>], vector<16xf32>,
        %add3A_226 = arith.constant 16 : i32
        %add3A_227 = vector.broadcast %add3A_226 : i32 to vector<16xi32>
        %add3A_228 = arith.addi %shift_right_arithmetic3A_2, %add3A_227 : vector<16xi32>
        tpu.vector_store_idx %arg7[%add3A_228, %add3A_187], %gather3A_199 : memref<64x128xf32, #tpu.memory_space<vmem>>[vector<16xi32>, vector<16xi32>], vector<16xf32>,
        %add3A_229 = arith.constant 24 : i32
        %add3A_230 = vector.broadcast %add3A_229 : i32 to vector<16xi32>
        %add3A_231 = arith.addi %shift_right_arithmetic3A_2, %add3A_230 : vector<16xi32>
        tpu.vector_store_idx %arg7[%add3A_231, %add3A_187], %gather3A_203 : memref<64x128xf32, #tpu.memory_space<vmem>>[vector<16xi32>, vector<16xi32>], vector<16xf32>,
        %add3A_232 = arith.constant 32 : i32
        %add3A_233 = vector.broadcast %add3A_232 : i32 to vector<16xi32>
        %add3A_234 = arith.addi %shift_right_arithmetic3A_2, %add3A_233 : vector<16xi32>
        tpu.vector_store_idx %arg7[%add3A_234, %add3A_187], %gather3A_207 : memref<64x128xf32, #tpu.memory_space<vmem>>[vector<16xi32>, vector<16xi32>], vector<16xf32>,
        %add3A_235 = arith.constant 40 : i32
        %add3A_236 = vector.broadcast %add3A_235 : i32 to vector<16xi32>
        %add3A_237 = arith.addi %shift_right_arithmetic3A_2, %add3A_236 : vector<16xi32>
        tpu.vector_store_idx %arg7[%add3A_237, %add3A_187], %gather3A_211 : memref<64x128xf32, #tpu.memory_space<vmem>>[vector<16xi32>, vector<16xi32>], vector<16xf32>,
        %add3A_238 = arith.constant 48 : i32
        %add3A_239 = vector.broadcast %add3A_238 : i32 to vector<16xi32>
        %add3A_240 = arith.addi %shift_right_arithmetic3A_2, %add3A_239 : vector<16xi32>
        tpu.vector_store_idx %arg7[%add3A_240, %add3A_187], %gather3A_215 : memref<64x128xf32, #tpu.memory_space<vmem>>[vector<16xi32>, vector<16xi32>], vector<16xf32>,
        %add3A_241 = arith.constant 56 : i32
        %add3A_242 = vector.broadcast %add3A_241 : i32 to vector<16xi32>
        %add3A_243 = arith.addi %shift_right_arithmetic3A_2, %add3A_242 : vector<16xi32>
        tpu.vector_store_idx %arg7[%add3A_243, %add3A_187], %gather3A_219 : memref<64x128xf32, #tpu.memory_space<vmem>>[vector<16xi32>, vector<16xi32>], vector<16xf32>,
      }
      %scan3A_64 = arith.constant 64 : i32
      %mul3A_65 = arith.constant 32 : i32
      %mul3A_66 = arith.muli %add3A_48, %mul3A_65 : i32
      %add3A_67 = arith.addi %add3A, %mul3A_66 : i32
      %mul3A_68 = arith.constant 64 : i32
      %mul3A_69 = arith.muli %add3A_67, %mul3A_68 : i32
      %dma_start3A_70 = arith.constant 0 : i32
      %dma_start3A_71 = tpu.memref_slice %arg4[%mul3A_69, %dma_start3A_70] : memref<500032x128xf32, #tpu.memory_space<hbm>> -> memref<64x128xf32, #tpu.memory_space<hbm>>
      %dma_start3A_72 = arith.constant 0 : i32
      %dma_start3A_73 = tpu.memref_slice %arg4[%mul3A_69, %dma_start3A_72] : memref<500032x128xf32, #tpu.memory_space<hbm>> -> memref<64x128xf32, #tpu.memory_space<hbm>>
      tpu.enqueue_dma source(%arg7 : memref<64x128xf32, #tpu.memory_space<vmem>>) target(%dma_start3A_73 : memref<64x128xf32, #tpu.memory_space<hbm>>) target_semaphore(%arg12 : memref<!tpu.dma_semaphore, #tpu.memory_space<semaphore_mem>>)
      %add3A_74 = arith.constant 2 : i32
      %add3A_75 = arith.addi %add3A_48, %add3A_74 : i32
      %lt3A_76 = arith.constant 244 : i32
      %lt3A_77 = arith.cmpi slt, %add3A_75, %lt3A_76 : i32
      %convert_element_type3A_78 = arith.extui %lt3A_77 : i1 to i32
      %cond3A_79 = arith.constant 0 : i32
      %cond3A_80 = arith.cmpi ne, %convert_element_type3A_78, %cond3A_79 : i32
      scf.if %cond3A_80 {
        %add3A_118 = arith.constant 2 : i32
        %add3A_119 = arith.addi %add3A_48, %add3A_118 : i32
        %mul3A_120 = arith.constant 32 : i32
        %mul3A_121 = arith.muli %add3A_119, %mul3A_120 : i32
        %add3A_122 = arith.addi %add3A, %mul3A_121 : i32
        %mul3A_123 = arith.constant 128 : i32
        %mul3A_124 = arith.muli %add3A_122, %mul3A_123 : i32
        %dma_start3A_125 = arith.constant 0 : i32
        %dma_start3A_126 = tpu.memref_slice %arg2[%dma_start3A_125, %mul3A_124] : memref<64x1000000xf32, #tpu.memory_space<hbm>> -> memref<64x128xf32, #tpu.memory_space<hbm>>
        %dma_start3A_127 = arith.constant 0 : i32
        %dma_start3A_128 = tpu.memref_slice %arg2[%dma_start3A_127, %mul3A_124] : memref<64x1000000xf32, #tpu.memory_space<hbm>> -> memref<64x128xf32, #tpu.memory_space<hbm>>
        tpu.enqueue_dma source(%dma_start3A_128 : memref<64x128xf32, #tpu.memory_space<hbm>>) target(%arg5 : memref<64x128xf32, #tpu.memory_space<vmem>>) target_semaphore(%arg10 : memref<!tpu.dma_semaphore, #tpu.memory_space<semaphore_mem>>)
      } else {
      }
      %mul3A_81 = arith.constant 2 : i32
      %mul3A_82 = arith.muli %scan3A_44, %mul3A_81 : i32
      %add3A_83 = arith.constant 1 : i32
      %add3A_84 = arith.addi %mul3A_82, %add3A_83 : i32
      %dma_wait3A_85 = arith.constant 0 : i32
      %dma_wait3A_86 = arith.constant 0 : i32
      %dma_wait3A_87 = tpu.memref_slice %arg2[%dma_wait3A_85, %dma_wait3A_86] : memref<64x1000000xf32, #tpu.memory_space<hbm>> -> memref<64x128xf32, #tpu.memory_space<hbm>>
      %dma_wait3A_88 = arith.constant 0 : i32
      %dma_wait3A_89 = arith.constant 0 : i32
      %dma_wait3A_90 = tpu.memref_slice %arg2[%dma_wait3A_88, %dma_wait3A_89] : memref<64x1000000xf32, #tpu.memory_space<hbm>> -> memref<64x128xf32, #tpu.memory_space<hbm>>
      tpu.wait_dma2 semaphore(%arg11 : memref<!tpu.dma_semaphore, #tpu.memory_space<semaphore_mem>>) src(%dma_wait3A_90 : memref<64x128xf32, #tpu.memory_space<hbm>>) dst(%arg6 : memref<64x128xf32, #tpu.memory_space<vmem>>)
      %ge3A_91 = arith.constant 1 : i32
      %ge3A_92 = arith.cmpi sge, %scan3A_44, %ge3A_91 : i32
      %convert_element_type3A_93 = arith.extui %ge3A_92 : i1 to i32
      %cond3A_94 = arith.constant 0 : i32
      %cond3A_95 = arith.cmpi ne, %convert_element_type3A_93, %cond3A_94 : i32
      scf.if %cond3A_95 {
        %dma_wait3A_118 = arith.constant 0 : i32
        %dma_wait3A_119 = arith.constant 0 : i32
        %dma_wait3A_120 = tpu.memref_slice %arg4[%dma_wait3A_118, %dma_wait3A_119] : memref<500032x128xf32, #tpu.memory_space<hbm>> -> memref<64x128xf32, #tpu.memory_space<hbm>>
        %dma_wait3A_121 = arith.constant 0 : i32
        %dma_wait3A_122 = arith.constant 0 : i32
        %dma_wait3A_123 = tpu.memref_slice %arg4[%dma_wait3A_121, %dma_wait3A_122] : memref<500032x128xf32, #tpu.memory_space<hbm>> -> memref<64x128xf32, #tpu.memory_space<hbm>>
        tpu.wait_dma2 semaphore(%arg13 : memref<!tpu.dma_semaphore, #tpu.memory_space<semaphore_mem>>) src(%arg8 : memref<64x128xf32, #tpu.memory_space<vmem>>) dst(%dma_wait3A_123 : memref<64x128xf32, #tpu.memory_space<hbm>>)
      } else {
      }
      %scan3A_96 = arith.constant 0 : i32
      %scan3A_97 = arith.constant 0 : i32
      %scan3A_98 = arith.constant 64 : i32
      %scan3A_99 = arith.addi %scan3A_97, %scan3A_98 : i32
      %scan3A_100 = arith.constant 2 : i32
      scf.for %scan3A_118 = %scan3A_97 to %scan3A_99 step %scan3A_100  : i32 {
        %add3A_119 = vector.broadcast %scan3A_118 : i32 to vector<16xi32>
        %add3A_120 = arith.addi %add3A_119, %iota3A : vector<16xi32>
        %and3A_121 = arith.constant 63 : i32
        %and3A_122 = vector.broadcast %and3A_121 : i32 to vector<16xi32>
        %and3A_123 = arith.andi %add3A_120, %and3A_122 : vector<16xi32>
        %add3A_124 = arith.addi %shift_left3A_6, %and3A_123 : vector<16xi32>
        %add3A_125 = arith.constant 0 : i32
        %add3A_126 = vector.broadcast %add3A_125 : i32 to vector<16xi32>
        %add3A_127 = arith.addi %iota3A, %add3A_126 : vector<16xi32>
        %gather3A = tpu.vector_load_idx %arg6[%and3A_123, %add3A_127] : memref<64x128xf32, #tpu.memory_space<vmem>>[vector<16xi32>, vector<16xi32>], vector<16xf32>,
        %add3A_128 = arith.constant 16 : i32
        %add3A_129 = vector.broadcast %add3A_128 : i32 to vector<16xi32>
        %add3A_130 = arith.addi %iota3A, %add3A_129 : vector<16xi32>
        %gather3A_131 = tpu.vector_load_idx %arg6[%and3A_123, %add3A_130] : memref<64x128xf32, #tpu.memory_space<vmem>>[vector<16xi32>, vector<16xi32>], vector<16xf32>,
        %add3A_132 = arith.constant 32 : i32
        %add3A_133 = vector.broadcast %add3A_132 : i32 to vector<16xi32>
        %add3A_134 = arith.addi %iota3A, %add3A_133 : vector<16xi32>
        %gather3A_135 = tpu.vector_load_idx %arg6[%and3A_123, %add3A_134] : memref<64x128xf32, #tpu.memory_space<vmem>>[vector<16xi32>, vector<16xi32>], vector<16xf32>,
        %add3A_136 = arith.constant 48 : i32
        %add3A_137 = vector.broadcast %add3A_136 : i32 to vector<16xi32>
        %add3A_138 = arith.addi %iota3A, %add3A_137 : vector<16xi32>
        %gather3A_139 = tpu.vector_load_idx %arg6[%and3A_123, %add3A_138] : memref<64x128xf32, #tpu.memory_space<vmem>>[vector<16xi32>, vector<16xi32>], vector<16xf32>,
        %add3A_140 = arith.constant 64 : i32
        %add3A_141 = vector.broadcast %add3A_140 : i32 to vector<16xi32>
        %add3A_142 = arith.addi %iota3A, %add3A_141 : vector<16xi32>
        %gather3A_143 = tpu.vector_load_idx %arg6[%and3A_123, %add3A_142] : memref<64x128xf32, #tpu.memory_space<vmem>>[vector<16xi32>, vector<16xi32>], vector<16xf32>,
        %add3A_144 = arith.constant 80 : i32
        %add3A_145 = vector.broadcast %add3A_144 : i32 to vector<16xi32>
        %add3A_146 = arith.addi %iota3A, %add3A_145 : vector<16xi32>
        %gather3A_147 = tpu.vector_load_idx %arg6[%and3A_123, %add3A_146] : memref<64x128xf32, #tpu.memory_space<vmem>>[vector<16xi32>, vector<16xi32>], vector<16xf32>,
        %add3A_148 = arith.constant 96 : i32
        %add3A_149 = vector.broadcast %add3A_148 : i32 to vector<16xi32>
        %add3A_150 = arith.addi %iota3A, %add3A_149 : vector<16xi32>
        %gather3A_151 = tpu.vector_load_idx %arg6[%and3A_123, %add3A_150] : memref<64x128xf32, #tpu.memory_space<vmem>>[vector<16xi32>, vector<16xi32>], vector<16xf32>,
        %add3A_152 = arith.constant 112 : i32
        %add3A_153 = vector.broadcast %add3A_152 : i32 to vector<16xi32>
        %add3A_154 = arith.addi %iota3A, %add3A_153 : vector<16xi32>
        %gather3A_155 = tpu.vector_load_idx %arg6[%and3A_123, %add3A_154] : memref<64x128xf32, #tpu.memory_space<vmem>>[vector<16xi32>, vector<16xi32>], vector<16xf32>,
        %add3A_156 = arith.constant 0 : i32
        %add3A_157 = vector.broadcast %add3A_156 : i32 to vector<16xi32>
        %add3A_158 = arith.addi %shift_right_arithmetic3A_2, %add3A_157 : vector<16xi32>
        tpu.vector_store_idx %arg8[%add3A_158, %add3A_124], %gather3A : memref<64x128xf32, #tpu.memory_space<vmem>>[vector<16xi32>, vector<16xi32>], vector<16xf32>,
        %add3A_159 = arith.constant 8 : i32
        %add3A_160 = vector.broadcast %add3A_159 : i32 to vector<16xi32>
        %add3A_161 = arith.addi %shift_right_arithmetic3A_2, %add3A_160 : vector<16xi32>
        tpu.vector_store_idx %arg8[%add3A_161, %add3A_124], %gather3A_131 : memref<64x128xf32, #tpu.memory_space<vmem>>[vector<16xi32>, vector<16xi32>], vector<16xf32>,
        %add3A_162 = arith.constant 16 : i32
        %add3A_163 = vector.broadcast %add3A_162 : i32 to vector<16xi32>
        %add3A_164 = arith.addi %shift_right_arithmetic3A_2, %add3A_163 : vector<16xi32>
        tpu.vector_store_idx %arg8[%add3A_164, %add3A_124], %gather3A_135 : memref<64x128xf32, #tpu.memory_space<vmem>>[vector<16xi32>, vector<16xi32>], vector<16xf32>,
        %add3A_165 = arith.constant 24 : i32
        %add3A_166 = vector.broadcast %add3A_165 : i32 to vector<16xi32>
        %add3A_167 = arith.addi %shift_right_arithmetic3A_2, %add3A_166 : vector<16xi32>
        tpu.vector_store_idx %arg8[%add3A_167, %add3A_124], %gather3A_139 : memref<64x128xf32, #tpu.memory_space<vmem>>[vector<16xi32>, vector<16xi32>], vector<16xf32>,
        %add3A_168 = arith.constant 32 : i32
        %add3A_169 = vector.broadcast %add3A_168 : i32 to vector<16xi32>
        %add3A_170 = arith.addi %shift_right_arithmetic3A_2, %add3A_169 : vector<16xi32>
        tpu.vector_store_idx %arg8[%add3A_170, %add3A_124], %gather3A_143 : memref<64x128xf32, #tpu.memory_space<vmem>>[vector<16xi32>, vector<16xi32>], vector<16xf32>,
        %add3A_171 = arith.constant 40 : i32
        %add3A_172 = vector.broadcast %add3A_171 : i32 to vector<16xi32>
        %add3A_173 = arith.addi %shift_right_arithmetic3A_2, %add3A_172 : vector<16xi32>
        tpu.vector_store_idx %arg8[%add3A_173, %add3A_124], %gather3A_147 : memref<64x128xf32, #tpu.memory_space<vmem>>[vector<16xi32>, vector<16xi32>], vector<16xf32>,
        %add3A_174 = arith.constant 48 : i32
        %add3A_175 = vector.broadcast %add3A_174 : i32 to vector<16xi32>
        %add3A_176 = arith.addi %shift_right_arithmetic3A_2, %add3A_175 : vector<16xi32>
        tpu.vector_store_idx %arg8[%add3A_176, %add3A_124], %gather3A_151 : memref<64x128xf32, #tpu.memory_space<vmem>>[vector<16xi32>, vector<16xi32>], vector<16xf32>,
        %add3A_177 = arith.constant 56 : i32
        %add3A_178 = vector.broadcast %add3A_177 : i32 to vector<16xi32>
        %add3A_179 = arith.addi %shift_right_arithmetic3A_2, %add3A_178 : vector<16xi32>
        tpu.vector_store_idx %arg8[%add3A_179, %add3A_124], %gather3A_155 : memref<64x128xf32, #tpu.memory_space<vmem>>[vector<16xi32>, vector<16xi32>], vector<16xf32>,
        %scan3A_180 = arith.constant 1 : i32
        %scan3A_181 = arith.addi %scan3A_118, %scan3A_180 : i32
        %add3A_182 = vector.broadcast %scan3A_181 : i32 to vector<16xi32>
        %add3A_183 = arith.addi %add3A_182, %iota3A : vector<16xi32>
        %and3A_184 = arith.constant 63 : i32
        %and3A_185 = vector.broadcast %and3A_184 : i32 to vector<16xi32>
        %and3A_186 = arith.andi %add3A_183, %and3A_185 : vector<16xi32>
        %add3A_187 = arith.addi %shift_left3A_6, %and3A_186 : vector<16xi32>
        %add3A_188 = arith.constant 0 : i32
        %add3A_189 = vector.broadcast %add3A_188 : i32 to vector<16xi32>
        %add3A_190 = arith.addi %iota3A, %add3A_189 : vector<16xi32>
        %gather3A_191 = tpu.vector_load_idx %arg6[%and3A_186, %add3A_190] : memref<64x128xf32, #tpu.memory_space<vmem>>[vector<16xi32>, vector<16xi32>], vector<16xf32>,
        %add3A_192 = arith.constant 16 : i32
        %add3A_193 = vector.broadcast %add3A_192 : i32 to vector<16xi32>
        %add3A_194 = arith.addi %iota3A, %add3A_193 : vector<16xi32>
        %gather3A_195 = tpu.vector_load_idx %arg6[%and3A_186, %add3A_194] : memref<64x128xf32, #tpu.memory_space<vmem>>[vector<16xi32>, vector<16xi32>], vector<16xf32>,
        %add3A_196 = arith.constant 32 : i32
        %add3A_197 = vector.broadcast %add3A_196 : i32 to vector<16xi32>
        %add3A_198 = arith.addi %iota3A, %add3A_197 : vector<16xi32>
        %gather3A_199 = tpu.vector_load_idx %arg6[%and3A_186, %add3A_198] : memref<64x128xf32, #tpu.memory_space<vmem>>[vector<16xi32>, vector<16xi32>], vector<16xf32>,
        %add3A_200 = arith.constant 48 : i32
        %add3A_201 = vector.broadcast %add3A_200 : i32 to vector<16xi32>
        %add3A_202 = arith.addi %iota3A, %add3A_201 : vector<16xi32>
        %gather3A_203 = tpu.vector_load_idx %arg6[%and3A_186, %add3A_202] : memref<64x128xf32, #tpu.memory_space<vmem>>[vector<16xi32>, vector<16xi32>], vector<16xf32>,
        %add3A_204 = arith.constant 64 : i32
        %add3A_205 = vector.broadcast %add3A_204 : i32 to vector<16xi32>
        %add3A_206 = arith.addi %iota3A, %add3A_205 : vector<16xi32>
        %gather3A_207 = tpu.vector_load_idx %arg6[%and3A_186, %add3A_206] : memref<64x128xf32, #tpu.memory_space<vmem>>[vector<16xi32>, vector<16xi32>], vector<16xf32>,
        %add3A_208 = arith.constant 80 : i32
        %add3A_209 = vector.broadcast %add3A_208 : i32 to vector<16xi32>
        %add3A_210 = arith.addi %iota3A, %add3A_209 : vector<16xi32>
        %gather3A_211 = tpu.vector_load_idx %arg6[%and3A_186, %add3A_210] : memref<64x128xf32, #tpu.memory_space<vmem>>[vector<16xi32>, vector<16xi32>], vector<16xf32>,
        %add3A_212 = arith.constant 96 : i32
        %add3A_213 = vector.broadcast %add3A_212 : i32 to vector<16xi32>
        %add3A_214 = arith.addi %iota3A, %add3A_213 : vector<16xi32>
        %gather3A_215 = tpu.vector_load_idx %arg6[%and3A_186, %add3A_214] : memref<64x128xf32, #tpu.memory_space<vmem>>[vector<16xi32>, vector<16xi32>], vector<16xf32>,
        %add3A_216 = arith.constant 112 : i32
        %add3A_217 = vector.broadcast %add3A_216 : i32 to vector<16xi32>
        %add3A_218 = arith.addi %iota3A, %add3A_217 : vector<16xi32>
        %gather3A_219 = tpu.vector_load_idx %arg6[%and3A_186, %add3A_218] : memref<64x128xf32, #tpu.memory_space<vmem>>[vector<16xi32>, vector<16xi32>], vector<16xf32>,
        %add3A_220 = arith.constant 0 : i32
        %add3A_221 = vector.broadcast %add3A_220 : i32 to vector<16xi32>
        %add3A_222 = arith.addi %shift_right_arithmetic3A_2, %add3A_221 : vector<16xi32>
        tpu.vector_store_idx %arg8[%add3A_222, %add3A_187], %gather3A_191 : memref<64x128xf32, #tpu.memory_space<vmem>>[vector<16xi32>, vector<16xi32>], vector<16xf32>,
        %add3A_223 = arith.constant 8 : i32
        %add3A_224 = vector.broadcast %add3A_223 : i32 to vector<16xi32>
        %add3A_225 = arith.addi %shift_right_arithmetic3A_2, %add3A_224 : vector<16xi32>
        tpu.vector_store_idx %arg8[%add3A_225, %add3A_187], %gather3A_195 : memref<64x128xf32, #tpu.memory_space<vmem>>[vector<16xi32>, vector<16xi32>], vector<16xf32>,
        %add3A_226 = arith.constant 16 : i32
        %add3A_227 = vector.broadcast %add3A_226 : i32 to vector<16xi32>
        %add3A_228 = arith.addi %shift_right_arithmetic3A_2, %add3A_227 : vector<16xi32>
        tpu.vector_store_idx %arg8[%add3A_228, %add3A_187], %gather3A_199 : memref<64x128xf32, #tpu.memory_space<vmem>>[vector<16xi32>, vector<16xi32>], vector<16xf32>,
        %add3A_229 = arith.constant 24 : i32
        %add3A_230 = vector.broadcast %add3A_229 : i32 to vector<16xi32>
        %add3A_231 = arith.addi %shift_right_arithmetic3A_2, %add3A_230 : vector<16xi32>
        tpu.vector_store_idx %arg8[%add3A_231, %add3A_187], %gather3A_203 : memref<64x128xf32, #tpu.memory_space<vmem>>[vector<16xi32>, vector<16xi32>], vector<16xf32>,
        %add3A_232 = arith.constant 32 : i32
        %add3A_233 = vector.broadcast %add3A_232 : i32 to vector<16xi32>
        %add3A_234 = arith.addi %shift_right_arithmetic3A_2, %add3A_233 : vector<16xi32>
        tpu.vector_store_idx %arg8[%add3A_234, %add3A_187], %gather3A_207 : memref<64x128xf32, #tpu.memory_space<vmem>>[vector<16xi32>, vector<16xi32>], vector<16xf32>,
        %add3A_235 = arith.constant 40 : i32
        %add3A_236 = vector.broadcast %add3A_235 : i32 to vector<16xi32>
        %add3A_237 = arith.addi %shift_right_arithmetic3A_2, %add3A_236 : vector<16xi32>
        tpu.vector_store_idx %arg8[%add3A_237, %add3A_187], %gather3A_211 : memref<64x128xf32, #tpu.memory_space<vmem>>[vector<16xi32>, vector<16xi32>], vector<16xf32>,
        %add3A_238 = arith.constant 48 : i32
        %add3A_239 = vector.broadcast %add3A_238 : i32 to vector<16xi32>
        %add3A_240 = arith.addi %shift_right_arithmetic3A_2, %add3A_239 : vector<16xi32>
        tpu.vector_store_idx %arg8[%add3A_240, %add3A_187], %gather3A_215 : memref<64x128xf32, #tpu.memory_space<vmem>>[vector<16xi32>, vector<16xi32>], vector<16xf32>,
        %add3A_241 = arith.constant 56 : i32
        %add3A_242 = vector.broadcast %add3A_241 : i32 to vector<16xi32>
        %add3A_243 = arith.addi %shift_right_arithmetic3A_2, %add3A_242 : vector<16xi32>
        tpu.vector_store_idx %arg8[%add3A_243, %add3A_187], %gather3A_219 : memref<64x128xf32, #tpu.memory_space<vmem>>[vector<16xi32>, vector<16xi32>], vector<16xf32>,
      }
      %scan3A_101 = arith.constant 64 : i32
      %mul3A_102 = arith.constant 32 : i32
      %mul3A_103 = arith.muli %add3A_84, %mul3A_102 : i32
      %add3A_104 = arith.addi %add3A, %mul3A_103 : i32
      %mul3A_105 = arith.constant 64 : i32
      %mul3A_106 = arith.muli %add3A_104, %mul3A_105 : i32
      %dma_start3A_107 = arith.constant 0 : i32
      %dma_start3A_108 = tpu.memref_slice %arg4[%mul3A_106, %dma_start3A_107] : memref<500032x128xf32, #tpu.memory_space<hbm>> -> memref<64x128xf32, #tpu.memory_space<hbm>>
      %dma_start3A_109 = arith.constant 0 : i32
      %dma_start3A_110 = tpu.memref_slice %arg4[%mul3A_106, %dma_start3A_109] : memref<500032x128xf32, #tpu.memory_space<hbm>> -> memref<64x128xf32, #tpu.memory_space<hbm>>
      tpu.enqueue_dma source(%arg8 : memref<64x128xf32, #tpu.memory_space<vmem>>) target(%dma_start3A_110 : memref<64x128xf32, #tpu.memory_space<hbm>>) target_semaphore(%arg13 : memref<!tpu.dma_semaphore, #tpu.memory_space<semaphore_mem>>)
      %add3A_111 = arith.constant 2 : i32
      %add3A_112 = arith.addi %add3A_84, %add3A_111 : i32
      %lt3A_113 = arith.constant 244 : i32
      %lt3A_114 = arith.cmpi slt, %add3A_112, %lt3A_113 : i32
      %convert_element_type3A_115 = arith.extui %lt3A_114 : i1 to i32
      %cond3A_116 = arith.constant 0 : i32
      %cond3A_117 = arith.cmpi ne, %convert_element_type3A_115, %cond3A_116 : i32
      scf.if %cond3A_117 {
        %add3A_118 = arith.constant 2 : i32
        %add3A_119 = arith.addi %add3A_84, %add3A_118 : i32
        %mul3A_120 = arith.constant 32 : i32
        %mul3A_121 = arith.muli %add3A_119, %mul3A_120 : i32
        %add3A_122 = arith.addi %add3A, %mul3A_121 : i32
        %mul3A_123 = arith.constant 128 : i32
        %mul3A_124 = arith.muli %add3A_122, %mul3A_123 : i32
        %dma_start3A_125 = arith.constant 0 : i32
        %dma_start3A_126 = tpu.memref_slice %arg2[%dma_start3A_125, %mul3A_124] : memref<64x1000000xf32, #tpu.memory_space<hbm>> -> memref<64x128xf32, #tpu.memory_space<hbm>>
        %dma_start3A_127 = arith.constant 0 : i32
        %dma_start3A_128 = tpu.memref_slice %arg2[%dma_start3A_127, %mul3A_124] : memref<64x1000000xf32, #tpu.memory_space<hbm>> -> memref<64x128xf32, #tpu.memory_space<hbm>>
        tpu.enqueue_dma source(%dma_start3A_128 : memref<64x128xf32, #tpu.memory_space<hbm>>) target(%arg6 : memref<64x128xf32, #tpu.memory_space<vmem>>) target_semaphore(%arg11 : memref<!tpu.dma_semaphore, #tpu.memory_space<semaphore_mem>>)
      } else {
      }
    }
    %scan3A_26 = arith.constant 122 : i32
    %lt3A = arith.constant 4 : i32
    %lt3A_27 = arith.cmpi slt, %add3A, %lt3A : i32
    %convert_element_type3A = arith.extui %lt3A_27 : i1 to i32
    %cond3A = arith.constant 0 : i32
    %cond3A_28 = arith.cmpi ne, %convert_element_type3A, %cond3A : i32
    scf.if %cond3A_28 {
      %add3A_44 = arith.constant 7808 : i32
      %add3A_45 = arith.addi %add3A, %add3A_44 : i32
      %mul3A_46 = arith.constant 128 : i32
      %mul3A_47 = arith.muli %add3A_45, %mul3A_46 : i32
      %dma_start3A_48 = arith.constant 0 : i32
      %dma_start3A_49 = tpu.memref_slice %arg2[%dma_start3A_48, %mul3A_47] : memref<64x1000000xf32, #tpu.memory_space<hbm>> -> memref<64x128xf32, #tpu.memory_space<hbm>>
      %dma_start3A_50 = arith.constant 0 : i32
      %dma_start3A_51 = tpu.memref_slice %arg2[%dma_start3A_50, %mul3A_47] : memref<64x1000000xf32, #tpu.memory_space<hbm>> -> memref<64x128xf32, #tpu.memory_space<hbm>>
      tpu.enqueue_dma source(%dma_start3A_51 : memref<64x128xf32, #tpu.memory_space<hbm>>) target(%arg5 : memref<64x128xf32, #tpu.memory_space<vmem>>) target_semaphore(%arg10 : memref<!tpu.dma_semaphore, #tpu.memory_space<semaphore_mem>>)
      %dma_wait3A_52 = arith.constant 0 : i32
      %dma_wait3A_53 = arith.constant 0 : i32
      %dma_wait3A_54 = tpu.memref_slice %arg2[%dma_wait3A_52, %dma_wait3A_53] : memref<64x1000000xf32, #tpu.memory_space<hbm>> -> memref<64x128xf32, #tpu.memory_space<hbm>>
      %dma_wait3A_55 = arith.constant 0 : i32
      %dma_wait3A_56 = arith.constant 0 : i32
      %dma_wait3A_57 = tpu.memref_slice %arg2[%dma_wait3A_55, %dma_wait3A_56] : memref<64x1000000xf32, #tpu.memory_space<hbm>> -> memref<64x128xf32, #tpu.memory_space<hbm>>
      tpu.wait_dma2 semaphore(%arg10 : memref<!tpu.dma_semaphore, #tpu.memory_space<semaphore_mem>>) src(%dma_wait3A_57 : memref<64x128xf32, #tpu.memory_space<hbm>>) dst(%arg5 : memref<64x128xf32, #tpu.memory_space<vmem>>)
      %dma_wait3A_58 = arith.constant 0 : i32
      %dma_wait3A_59 = arith.constant 0 : i32
      %dma_wait3A_60 = tpu.memref_slice %arg4[%dma_wait3A_58, %dma_wait3A_59] : memref<500032x128xf32, #tpu.memory_space<hbm>> -> memref<64x128xf32, #tpu.memory_space<hbm>>
      %dma_wait3A_61 = arith.constant 0 : i32
      %dma_wait3A_62 = arith.constant 0 : i32
      %dma_wait3A_63 = tpu.memref_slice %arg4[%dma_wait3A_61, %dma_wait3A_62] : memref<500032x128xf32, #tpu.memory_space<hbm>> -> memref<64x128xf32, #tpu.memory_space<hbm>>
      tpu.wait_dma2 semaphore(%arg12 : memref<!tpu.dma_semaphore, #tpu.memory_space<semaphore_mem>>) src(%arg7 : memref<64x128xf32, #tpu.memory_space<vmem>>) dst(%dma_wait3A_63 : memref<64x128xf32, #tpu.memory_space<hbm>>)
      %scan3A_64 = arith.constant 0 : i32
      %scan3A_65 = arith.constant 0 : i32
      %scan3A_66 = arith.constant 64 : i32
      %scan3A_67 = arith.addi %scan3A_65, %scan3A_66 : i32
      %scan3A_68 = arith.constant 2 : i32
      scf.for %scan3A_78 = %scan3A_65 to %scan3A_67 step %scan3A_68  : i32 {
        %add3A_79 = vector.broadcast %scan3A_78 : i32 to vector<16xi32>
        %add3A_80 = arith.addi %add3A_79, %iota3A : vector<16xi32>
        %and3A_81 = arith.constant 63 : i32
        %and3A_82 = vector.broadcast %and3A_81 : i32 to vector<16xi32>
        %and3A_83 = arith.andi %add3A_80, %and3A_82 : vector<16xi32>
        %add3A_84 = arith.addi %shift_left3A_6, %and3A_83 : vector<16xi32>
        %add3A_85 = arith.constant 0 : i32
        %add3A_86 = vector.broadcast %add3A_85 : i32 to vector<16xi32>
        %add3A_87 = arith.addi %iota3A, %add3A_86 : vector<16xi32>
        %gather3A = tpu.vector_load_idx %arg5[%and3A_83, %add3A_87] : memref<64x128xf32, #tpu.memory_space<vmem>>[vector<16xi32>, vector<16xi32>], vector<16xf32>,
        %add3A_88 = arith.constant 16 : i32
        %add3A_89 = vector.broadcast %add3A_88 : i32 to vector<16xi32>
        %add3A_90 = arith.addi %iota3A, %add3A_89 : vector<16xi32>
        %gather3A_91 = tpu.vector_load_idx %arg5[%and3A_83, %add3A_90] : memref<64x128xf32, #tpu.memory_space<vmem>>[vector<16xi32>, vector<16xi32>], vector<16xf32>,
        %add3A_92 = arith.constant 32 : i32
        %add3A_93 = vector.broadcast %add3A_92 : i32 to vector<16xi32>
        %add3A_94 = arith.addi %iota3A, %add3A_93 : vector<16xi32>
        %gather3A_95 = tpu.vector_load_idx %arg5[%and3A_83, %add3A_94] : memref<64x128xf32, #tpu.memory_space<vmem>>[vector<16xi32>, vector<16xi32>], vector<16xf32>,
        %add3A_96 = arith.constant 48 : i32
        %add3A_97 = vector.broadcast %add3A_96 : i32 to vector<16xi32>
        %add3A_98 = arith.addi %iota3A, %add3A_97 : vector<16xi32>
        %gather3A_99 = tpu.vector_load_idx %arg5[%and3A_83, %add3A_98] : memref<64x128xf32, #tpu.memory_space<vmem>>[vector<16xi32>, vector<16xi32>], vector<16xf32>,
        %add3A_100 = arith.constant 64 : i32
        %add3A_101 = vector.broadcast %add3A_100 : i32 to vector<16xi32>
        %add3A_102 = arith.addi %iota3A, %add3A_101 : vector<16xi32>
        %gather3A_103 = tpu.vector_load_idx %arg5[%and3A_83, %add3A_102] : memref<64x128xf32, #tpu.memory_space<vmem>>[vector<16xi32>, vector<16xi32>], vector<16xf32>,
        %add3A_104 = arith.constant 80 : i32
        %add3A_105 = vector.broadcast %add3A_104 : i32 to vector<16xi32>
        %add3A_106 = arith.addi %iota3A, %add3A_105 : vector<16xi32>
        %gather3A_107 = tpu.vector_load_idx %arg5[%and3A_83, %add3A_106] : memref<64x128xf32, #tpu.memory_space<vmem>>[vector<16xi32>, vector<16xi32>], vector<16xf32>,
        %add3A_108 = arith.constant 96 : i32
        %add3A_109 = vector.broadcast %add3A_108 : i32 to vector<16xi32>
        %add3A_110 = arith.addi %iota3A, %add3A_109 : vector<16xi32>
        %gather3A_111 = tpu.vector_load_idx %arg5[%and3A_83, %add3A_110] : memref<64x128xf32, #tpu.memory_space<vmem>>[vector<16xi32>, vector<16xi32>], vector<16xf32>,
        %add3A_112 = arith.constant 112 : i32
        %add3A_113 = vector.broadcast %add3A_112 : i32 to vector<16xi32>
        %add3A_114 = arith.addi %iota3A, %add3A_113 : vector<16xi32>
        %gather3A_115 = tpu.vector_load_idx %arg5[%and3A_83, %add3A_114] : memref<64x128xf32, #tpu.memory_space<vmem>>[vector<16xi32>, vector<16xi32>], vector<16xf32>,
        %add3A_116 = arith.constant 0 : i32
        %add3A_117 = vector.broadcast %add3A_116 : i32 to vector<16xi32>
        %add3A_118 = arith.addi %shift_right_arithmetic3A_2, %add3A_117 : vector<16xi32>
        tpu.vector_store_idx %arg7[%add3A_118, %add3A_84], %gather3A : memref<64x128xf32, #tpu.memory_space<vmem>>[vector<16xi32>, vector<16xi32>], vector<16xf32>,
        %add3A_119 = arith.constant 8 : i32
        %add3A_120 = vector.broadcast %add3A_119 : i32 to vector<16xi32>
        %add3A_121 = arith.addi %shift_right_arithmetic3A_2, %add3A_120 : vector<16xi32>
        tpu.vector_store_idx %arg7[%add3A_121, %add3A_84], %gather3A_91 : memref<64x128xf32, #tpu.memory_space<vmem>>[vector<16xi32>, vector<16xi32>], vector<16xf32>,
        %add3A_122 = arith.constant 16 : i32
        %add3A_123 = vector.broadcast %add3A_122 : i32 to vector<16xi32>
        %add3A_124 = arith.addi %shift_right_arithmetic3A_2, %add3A_123 : vector<16xi32>
        tpu.vector_store_idx %arg7[%add3A_124, %add3A_84], %gather3A_95 : memref<64x128xf32, #tpu.memory_space<vmem>>[vector<16xi32>, vector<16xi32>], vector<16xf32>,
        %add3A_125 = arith.constant 24 : i32
        %add3A_126 = vector.broadcast %add3A_125 : i32 to vector<16xi32>
        %add3A_127 = arith.addi %shift_right_arithmetic3A_2, %add3A_126 : vector<16xi32>
        tpu.vector_store_idx %arg7[%add3A_127, %add3A_84], %gather3A_99 : memref<64x128xf32, #tpu.memory_space<vmem>>[vector<16xi32>, vector<16xi32>], vector<16xf32>,
        %add3A_128 = arith.constant 32 : i32
        %add3A_129 = vector.broadcast %add3A_128 : i32 to vector<16xi32>
        %add3A_130 = arith.addi %shift_right_arithmetic3A_2, %add3A_129 : vector<16xi32>
        tpu.vector_store_idx %arg7[%add3A_130, %add3A_84], %gather3A_103 : memref<64x128xf32, #tpu.memory_space<vmem>>[vector<16xi32>, vector<16xi32>], vector<16xf32>,
        %add3A_131 = arith.constant 40 : i32
        %add3A_132 = vector.broadcast %add3A_131 : i32 to vector<16xi32>
        %add3A_133 = arith.addi %shift_right_arithmetic3A_2, %add3A_132 : vector<16xi32>
        tpu.vector_store_idx %arg7[%add3A_133, %add3A_84], %gather3A_107 : memref<64x128xf32, #tpu.memory_space<vmem>>[vector<16xi32>, vector<16xi32>], vector<16xf32>,
        %add3A_134 = arith.constant 48 : i32
        %add3A_135 = vector.broadcast %add3A_134 : i32 to vector<16xi32>
        %add3A_136 = arith.addi %shift_right_arithmetic3A_2, %add3A_135 : vector<16xi32>
        tpu.vector_store_idx %arg7[%add3A_136, %add3A_84], %gather3A_111 : memref<64x128xf32, #tpu.memory_space<vmem>>[vector<16xi32>, vector<16xi32>], vector<16xf32>,
        %add3A_137 = arith.constant 56 : i32
        %add3A_138 = vector.broadcast %add3A_137 : i32 to vector<16xi32>
        %add3A_139 = arith.addi %shift_right_arithmetic3A_2, %add3A_138 : vector<16xi32>
        tpu.vector_store_idx %arg7[%add3A_139, %add3A_84], %gather3A_115 : memref<64x128xf32, #tpu.memory_space<vmem>>[vector<16xi32>, vector<16xi32>], vector<16xf32>,
        %scan3A_140 = arith.constant 1 : i32
        %scan3A_141 = arith.addi %scan3A_78, %scan3A_140 : i32
        %add3A_142 = vector.broadcast %scan3A_141 : i32 to vector<16xi32>
        %add3A_143 = arith.addi %add3A_142, %iota3A : vector<16xi32>
        %and3A_144 = arith.constant 63 : i32
        %and3A_145 = vector.broadcast %and3A_144 : i32 to vector<16xi32>
        %and3A_146 = arith.andi %add3A_143, %and3A_145 : vector<16xi32>
        %add3A_147 = arith.addi %shift_left3A_6, %and3A_146 : vector<16xi32>
        %add3A_148 = arith.constant 0 : i32
        %add3A_149 = vector.broadcast %add3A_148 : i32 to vector<16xi32>
        %add3A_150 = arith.addi %iota3A, %add3A_149 : vector<16xi32>
        %gather3A_151 = tpu.vector_load_idx %arg5[%and3A_146, %add3A_150] : memref<64x128xf32, #tpu.memory_space<vmem>>[vector<16xi32>, vector<16xi32>], vector<16xf32>,
        %add3A_152 = arith.constant 16 : i32
        %add3A_153 = vector.broadcast %add3A_152 : i32 to vector<16xi32>
        %add3A_154 = arith.addi %iota3A, %add3A_153 : vector<16xi32>
        %gather3A_155 = tpu.vector_load_idx %arg5[%and3A_146, %add3A_154] : memref<64x128xf32, #tpu.memory_space<vmem>>[vector<16xi32>, vector<16xi32>], vector<16xf32>,
        %add3A_156 = arith.constant 32 : i32
        %add3A_157 = vector.broadcast %add3A_156 : i32 to vector<16xi32>
        %add3A_158 = arith.addi %iota3A, %add3A_157 : vector<16xi32>
        %gather3A_159 = tpu.vector_load_idx %arg5[%and3A_146, %add3A_158] : memref<64x128xf32, #tpu.memory_space<vmem>>[vector<16xi32>, vector<16xi32>], vector<16xf32>,
        %add3A_160 = arith.constant 48 : i32
        %add3A_161 = vector.broadcast %add3A_160 : i32 to vector<16xi32>
        %add3A_162 = arith.addi %iota3A, %add3A_161 : vector<16xi32>
        %gather3A_163 = tpu.vector_load_idx %arg5[%and3A_146, %add3A_162] : memref<64x128xf32, #tpu.memory_space<vmem>>[vector<16xi32>, vector<16xi32>], vector<16xf32>,
        %add3A_164 = arith.constant 64 : i32
        %add3A_165 = vector.broadcast %add3A_164 : i32 to vector<16xi32>
        %add3A_166 = arith.addi %iota3A, %add3A_165 : vector<16xi32>
        %gather3A_167 = tpu.vector_load_idx %arg5[%and3A_146, %add3A_166] : memref<64x128xf32, #tpu.memory_space<vmem>>[vector<16xi32>, vector<16xi32>], vector<16xf32>,
        %add3A_168 = arith.constant 80 : i32
        %add3A_169 = vector.broadcast %add3A_168 : i32 to vector<16xi32>
        %add3A_170 = arith.addi %iota3A, %add3A_169 : vector<16xi32>
        %gather3A_171 = tpu.vector_load_idx %arg5[%and3A_146, %add3A_170] : memref<64x128xf32, #tpu.memory_space<vmem>>[vector<16xi32>, vector<16xi32>], vector<16xf32>,
        %add3A_172 = arith.constant 96 : i32
        %add3A_173 = vector.broadcast %add3A_172 : i32 to vector<16xi32>
        %add3A_174 = arith.addi %iota3A, %add3A_173 : vector<16xi32>
        %gather3A_175 = tpu.vector_load_idx %arg5[%and3A_146, %add3A_174] : memref<64x128xf32, #tpu.memory_space<vmem>>[vector<16xi32>, vector<16xi32>], vector<16xf32>,
        %add3A_176 = arith.constant 112 : i32
        %add3A_177 = vector.broadcast %add3A_176 : i32 to vector<16xi32>
        %add3A_178 = arith.addi %iota3A, %add3A_177 : vector<16xi32>
        %gather3A_179 = tpu.vector_load_idx %arg5[%and3A_146, %add3A_178] : memref<64x128xf32, #tpu.memory_space<vmem>>[vector<16xi32>, vector<16xi32>], vector<16xf32>,
        %add3A_180 = arith.constant 0 : i32
        %add3A_181 = vector.broadcast %add3A_180 : i32 to vector<16xi32>
        %add3A_182 = arith.addi %shift_right_arithmetic3A_2, %add3A_181 : vector<16xi32>
        tpu.vector_store_idx %arg7[%add3A_182, %add3A_147], %gather3A_151 : memref<64x128xf32, #tpu.memory_space<vmem>>[vector<16xi32>, vector<16xi32>], vector<16xf32>,
        %add3A_183 = arith.constant 8 : i32
        %add3A_184 = vector.broadcast %add3A_183 : i32 to vector<16xi32>
        %add3A_185 = arith.addi %shift_right_arithmetic3A_2, %add3A_184 : vector<16xi32>
        tpu.vector_store_idx %arg7[%add3A_185, %add3A_147], %gather3A_155 : memref<64x128xf32, #tpu.memory_space<vmem>>[vector<16xi32>, vector<16xi32>], vector<16xf32>,
        %add3A_186 = arith.constant 16 : i32
        %add3A_187 = vector.broadcast %add3A_186 : i32 to vector<16xi32>
        %add3A_188 = arith.addi %shift_right_arithmetic3A_2, %add3A_187 : vector<16xi32>
        tpu.vector_store_idx %arg7[%add3A_188, %add3A_147], %gather3A_159 : memref<64x128xf32, #tpu.memory_space<vmem>>[vector<16xi32>, vector<16xi32>], vector<16xf32>,
        %add3A_189 = arith.constant 24 : i32
        %add3A_190 = vector.broadcast %add3A_189 : i32 to vector<16xi32>
        %add3A_191 = arith.addi %shift_right_arithmetic3A_2, %add3A_190 : vector<16xi32>
        tpu.vector_store_idx %arg7[%add3A_191, %add3A_147], %gather3A_163 : memref<64x128xf32, #tpu.memory_space<vmem>>[vector<16xi32>, vector<16xi32>], vector<16xf32>,
        %add3A_192 = arith.constant 32 : i32
        %add3A_193 = vector.broadcast %add3A_192 : i32 to vector<16xi32>
        %add3A_194 = arith.addi %shift_right_arithmetic3A_2, %add3A_193 : vector<16xi32>
        tpu.vector_store_idx %arg7[%add3A_194, %add3A_147], %gather3A_167 : memref<64x128xf32, #tpu.memory_space<vmem>>[vector<16xi32>, vector<16xi32>], vector<16xf32>,
        %add3A_195 = arith.constant 40 : i32
        %add3A_196 = vector.broadcast %add3A_195 : i32 to vector<16xi32>
        %add3A_197 = arith.addi %shift_right_arithmetic3A_2, %add3A_196 : vector<16xi32>
        tpu.vector_store_idx %arg7[%add3A_197, %add3A_147], %gather3A_171 : memref<64x128xf32, #tpu.memory_space<vmem>>[vector<16xi32>, vector<16xi32>], vector<16xf32>,
        %add3A_198 = arith.constant 48 : i32
        %add3A_199 = vector.broadcast %add3A_198 : i32 to vector<16xi32>
        %add3A_200 = arith.addi %shift_right_arithmetic3A_2, %add3A_199 : vector<16xi32>
        tpu.vector_store_idx %arg7[%add3A_200, %add3A_147], %gather3A_175 : memref<64x128xf32, #tpu.memory_space<vmem>>[vector<16xi32>, vector<16xi32>], vector<16xf32>,
        %add3A_201 = arith.constant 56 : i32
        %add3A_202 = vector.broadcast %add3A_201 : i32 to vector<16xi32>
        %add3A_203 = arith.addi %shift_right_arithmetic3A_2, %add3A_202 : vector<16xi32>
        tpu.vector_store_idx %arg7[%add3A_203, %add3A_147], %gather3A_179 : memref<64x128xf32, #tpu.memory_space<vmem>>[vector<16xi32>, vector<16xi32>], vector<16xf32>,
      }
      %scan3A_69 = arith.constant 64 : i32
      %add3A_70 = arith.constant 7808 : i32
      %add3A_71 = arith.addi %add3A, %add3A_70 : i32
      %mul3A_72 = arith.constant 64 : i32
      %mul3A_73 = arith.muli %add3A_71, %mul3A_72 : i32
      %dma_start3A_74 = arith.constant 0 : i32
      %dma_start3A_75 = tpu.memref_slice %arg4[%mul3A_73, %dma_start3A_74] : memref<500032x128xf32, #tpu.memory_space<hbm>> -> memref<64x128xf32, #tpu.memory_space<hbm>>
      %dma_start3A_76 = arith.constant 0 : i32
      %dma_start3A_77 = tpu.memref_slice %arg4[%mul3A_73, %dma_start3A_76] : memref<500032x128xf32, #tpu.memory_space<hbm>> -> memref<64x128xf32, #tpu.memory_space<hbm>>
      tpu.enqueue_dma source(%arg7 : memref<64x128xf32, #tpu.memory_space<vmem>>) target(%dma_start3A_77 : memref<64x128xf32, #tpu.memory_space<hbm>>) target_semaphore(%arg12 : memref<!tpu.dma_semaphore, #tpu.memory_space<semaphore_mem>>)
    } else {
    }
    %eq3A = arith.constant 4 : i32
    %eq3A_29 = arith.cmpi eq, %add3A, %eq3A : i32
    %convert_element_type3A_30 = arith.extui %eq3A_29 : i1 to i32
    %cond3A_31 = arith.constant 0 : i32
    %cond3A_32 = arith.cmpi ne, %convert_element_type3A_30, %cond3A_31 : i32
    scf.if %cond3A_32 {
      "tpu.region"() ({
        %run_scoped3A = tpu.sem_alloc : memref<!tpu.dma_semaphore, #tpu.memory_space<semaphore_mem>>
        tpu.enqueue_dma source(%arg3 : memref<32x128xf32, #tpu.memory_space<hbm>>) target(%arg9 : memref<32x128xf32, #tpu.memory_space<vmem>>) target_semaphore(%run_scoped3A : memref<!tpu.dma_semaphore, #tpu.memory_space<semaphore_mem>>)
        tpu.wait_dma2 semaphore(%run_scoped3A : memref<!tpu.dma_semaphore, #tpu.memory_space<semaphore_mem>>) src(%arg3 : memref<32x128xf32, #tpu.memory_space<hbm>>) dst(%arg9 : memref<32x128xf32, #tpu.memory_space<vmem>>)
        tpu.yield
      }) : () -> ()
      "tpu.region"() ({
        %run_scoped3A = tpu.sem_alloc : memref<!tpu.dma_semaphore, #tpu.memory_space<semaphore_mem>>
        %dma_start3A_44 = arith.constant 499968 : i32
        %dma_start3A_45 = arith.constant 0 : i32
        %dma_start3A_46 = tpu.memref_slice %arg4[%dma_start3A_44, %dma_start3A_45] : memref<500032x128xf32, #tpu.memory_space<hbm>> -> memref<32x128xf32, #tpu.memory_space<hbm>>
        %dma_start3A_47 = arith.constant 499968 : i32
        %dma_start3A_48 = arith.constant 0 : i32
        %dma_start3A_49 = tpu.memref_slice %arg4[%dma_start3A_47, %dma_start3A_48] : memref<500032x128xf32, #tpu.memory_space<hbm>> -> memref<32x128xf32, #tpu.memory_space<hbm>>
        tpu.enqueue_dma source(%arg9 : memref<32x128xf32, #tpu.memory_space<vmem>>) target(%dma_start3A_49 : memref<32x128xf32, #tpu.memory_space<hbm>>) target_semaphore(%run_scoped3A : memref<!tpu.dma_semaphore, #tpu.memory_space<semaphore_mem>>)
        %dma_wait3A_50 = arith.constant 499968 : i32
        %dma_wait3A_51 = arith.constant 0 : i32
        %dma_wait3A_52 = tpu.memref_slice %arg4[%dma_wait3A_50, %dma_wait3A_51] : memref<500032x128xf32, #tpu.memory_space<hbm>> -> memref<32x128xf32, #tpu.memory_space<hbm>>
        %dma_wait3A_53 = arith.constant 499968 : i32
        %dma_wait3A_54 = arith.constant 0 : i32
        %dma_wait3A_55 = tpu.memref_slice %arg4[%dma_wait3A_53, %dma_wait3A_54] : memref<500032x128xf32, #tpu.memory_space<hbm>> -> memref<32x128xf32, #tpu.memory_space<hbm>>
        tpu.wait_dma2 semaphore(%run_scoped3A : memref<!tpu.dma_semaphore, #tpu.memory_space<semaphore_mem>>) src(%arg9 : memref<32x128xf32, #tpu.memory_space<vmem>>) dst(%dma_wait3A_55 : memref<32x128xf32, #tpu.memory_space<hbm>>)
        tpu.yield
      }) : () -> ()
    } else {
    }
    %dma_wait3A = arith.constant 0 : i32
    %dma_wait3A_33 = arith.constant 0 : i32
    %dma_wait3A_34 = tpu.memref_slice %arg4[%dma_wait3A, %dma_wait3A_33] : memref<500032x128xf32, #tpu.memory_space<hbm>> -> memref<64x128xf32, #tpu.memory_space<hbm>>
    %dma_wait3A_35 = arith.constant 0 : i32
    %dma_wait3A_36 = arith.constant 0 : i32
    %dma_wait3A_37 = tpu.memref_slice %arg4[%dma_wait3A_35, %dma_wait3A_36] : memref<500032x128xf32, #tpu.memory_space<hbm>> -> memref<64x128xf32, #tpu.memory_space<hbm>>
    tpu.wait_dma2 semaphore(%arg12 : memref<!tpu.dma_semaphore, #tpu.memory_space<semaphore_mem>>) src(%arg7 : memref<64x128xf32, #tpu.memory_space<vmem>>) dst(%dma_wait3A_37 : memref<64x128xf32, #tpu.memory_space<hbm>>)
    %dma_wait3A_38 = arith.constant 0 : i32
    %dma_wait3A_39 = arith.constant 0 : i32
    %dma_wait3A_40 = tpu.memref_slice %arg4[%dma_wait3A_38, %dma_wait3A_39] : memref<500032x128xf32, #tpu.memory_space<hbm>> -> memref<64x128xf32, #tpu.memory_space<hbm>>
    %dma_wait3A_41 = arith.constant 0 : i32
    %dma_wait3A_42 = arith.constant 0 : i32
    %dma_wait3A_43 = tpu.memref_slice %arg4[%dma_wait3A_41, %dma_wait3A_42] : memref<500032x128xf32, #tpu.memory_space<hbm>> -> memref<64x128xf32, #tpu.memory_space<hbm>>
    tpu.wait_dma2 semaphore(%arg13 : memref<!tpu.dma_semaphore, #tpu.memory_space<semaphore_mem>>) src(%arg8 : memref<64x128xf32, #tpu.memory_space<vmem>>) dst(%dma_wait3A_43 : memref<64x128xf32, #tpu.memory_space<hbm>>)
    return
  }
}

#map = affine_map<(d0, d1) -> (0, 0)>
#map1 = affine_map<(d0, d1) -> (0, 0, 0)>
#map2 = affine_map<(d0, d1) -> (0, 0, 0, 0)>
module attributes {stable_mosaic.version = 14 : i64} {
  func.func @gather_kernel(%arg0: i32, %arg1: i32, %arg2: memref<1000064x64xf32, #tpu.memory_space<hbm>>, %arg3: memref<32x200x128xi32, #tpu.memory_space<hbm>>, %arg4: memref<200x8x32x1024xf32, #tpu.memory_space<hbm>>, %arg5: memref<200x128xi32, #tpu.memory_space<vmem>>, %arg6: memref<128x64xf32, #tpu.memory_space<vmem>>, %arg7: memref<128x64xf32, #tpu.memory_space<vmem>>, %arg8: memref<8x1024xf32, #tpu.memory_space<vmem>>, %arg9: memref<8x1024xf32, #tpu.memory_space<vmem>>, %arg10: memref<!tpu.dma_semaphore, #tpu.memory_space<semaphore_mem>>, %arg11: memref<!tpu.dma_semaphore, #tpu.memory_space<semaphore_mem>>, %arg12: memref<!tpu.dma_semaphore, #tpu.memory_space<semaphore_mem>>, %arg13: memref<!tpu.dma_semaphore, #tpu.memory_space<semaphore_mem>>) attributes {dimension_semantics = [#tpu.dimension_semantics<core_parallel>, #tpu.dimension_semantics<subcore_parallel>], iteration_bounds = array<i64: 2, 16>, scalar_prefetch = 0 : i64, scratch_operands = 9 : i64, tpu.core_type = #tpu.core_type<sc_vector_subcore>, window_params = [{transform_indices = #map}, {transform_indices = #map1}, {transform_indices = #map2}]} {
    %mul3A = arith.constant 2 : i32
    %mul3A_0 = arith.muli %arg1, %mul3A : i32
    %add3A = arith.addi %mul3A_0, %arg0 : i32
    "tpu.region"() ({
      %run_scoped3A = tpu.sem_alloc : memref<!tpu.dma_semaphore, #tpu.memory_space<semaphore_mem>>
      %dma_start3A_60 = arith.constant 0 : i32
      %dma_start3A_61 = arith.constant 0 : i32
      %dma_start3A_62 = tpu.memref_slice %arg3[%add3A, %dma_start3A_60, %dma_start3A_61] : memref<32x200x128xi32, #tpu.memory_space<hbm>> -> memref<1x200x128xi32, #tpu.memory_space<hbm>>
      %dma_start3A_63 = tpu.memref_squeeze %dma_start3A_62 : memref<1x200x128xi32, #tpu.memory_space<hbm>> -> memref<200x128xi32, #tpu.memory_space<hbm>>
      %dma_start3A_64 = arith.constant 0 : i32
      %dma_start3A_65 = arith.constant 0 : i32
      %dma_start3A_66 = tpu.memref_slice %arg3[%add3A, %dma_start3A_64, %dma_start3A_65] : memref<32x200x128xi32, #tpu.memory_space<hbm>> -> memref<1x200x128xi32, #tpu.memory_space<hbm>>
      %dma_start3A_67 = tpu.memref_squeeze %dma_start3A_66 : memref<1x200x128xi32, #tpu.memory_space<hbm>> -> memref<200x128xi32, #tpu.memory_space<hbm>>
      tpu.enqueue_dma source(%dma_start3A_67 : memref<200x128xi32, #tpu.memory_space<hbm>>) target(%arg5 : memref<200x128xi32, #tpu.memory_space<vmem>>) target_semaphore(%run_scoped3A : memref<!tpu.dma_semaphore, #tpu.memory_space<semaphore_mem>>)
      %dma_wait3A_68 = arith.constant 0 : i32
      %dma_wait3A_69 = arith.constant 0 : i32
      %dma_wait3A_70 = tpu.memref_slice %arg3[%add3A, %dma_wait3A_68, %dma_wait3A_69] : memref<32x200x128xi32, #tpu.memory_space<hbm>> -> memref<1x200x128xi32, #tpu.memory_space<hbm>>
      %dma_wait3A_71 = tpu.memref_squeeze %dma_wait3A_70 : memref<1x200x128xi32, #tpu.memory_space<hbm>> -> memref<200x128xi32, #tpu.memory_space<hbm>>
      %dma_wait3A_72 = arith.constant 0 : i32
      %dma_wait3A_73 = arith.constant 0 : i32
      %dma_wait3A_74 = tpu.memref_slice %arg3[%add3A, %dma_wait3A_72, %dma_wait3A_73] : memref<32x200x128xi32, #tpu.memory_space<hbm>> -> memref<1x200x128xi32, #tpu.memory_space<hbm>>
      %dma_wait3A_75 = tpu.memref_squeeze %dma_wait3A_74 : memref<1x200x128xi32, #tpu.memory_space<hbm>> -> memref<200x128xi32, #tpu.memory_space<hbm>>
      tpu.wait_dma2 semaphore(%run_scoped3A : memref<!tpu.dma_semaphore, #tpu.memory_space<semaphore_mem>>) src(%dma_wait3A_75 : memref<200x128xi32, #tpu.memory_space<hbm>>) dst(%arg5 : memref<200x128xi32, #tpu.memory_space<vmem>>)
      tpu.yield
    }) : () -> ()
    %iota3A = tpu.iota {dimensions = array<i32: 0>} : vector<16xi32>
    %add3A_1 = arith.constant 0 : i32
    %add3A_2 = vector.broadcast %add3A_1 : i32 to vector<16xi32>
    %add3A_3 = arith.addi %iota3A, %add3A_2 : vector<16xi32>
    %add3A_4 = arith.constant 16 : i32
    %add3A_5 = vector.broadcast %add3A_4 : i32 to vector<16xi32>
    %add3A_6 = arith.addi %iota3A, %add3A_5 : vector<16xi32>
    %add3A_7 = arith.constant 32 : i32
    %add3A_8 = vector.broadcast %add3A_7 : i32 to vector<16xi32>
    %add3A_9 = arith.addi %iota3A, %add3A_8 : vector<16xi32>
    %add3A_10 = arith.constant 48 : i32
    %add3A_11 = vector.broadcast %add3A_10 : i32 to vector<16xi32>
    %add3A_12 = arith.addi %iota3A, %add3A_11 : vector<16xi32>
    %add3A_13 = arith.constant 64 : i32
    %add3A_14 = vector.broadcast %add3A_13 : i32 to vector<16xi32>
    %add3A_15 = arith.addi %iota3A, %add3A_14 : vector<16xi32>
    %add3A_16 = arith.constant 80 : i32
    %add3A_17 = vector.broadcast %add3A_16 : i32 to vector<16xi32>
    %add3A_18 = arith.addi %iota3A, %add3A_17 : vector<16xi32>
    %add3A_19 = arith.constant 96 : i32
    %add3A_20 = vector.broadcast %add3A_19 : i32 to vector<16xi32>
    %add3A_21 = arith.addi %iota3A, %add3A_20 : vector<16xi32>
    %add3A_22 = arith.constant 112 : i32
    %add3A_23 = vector.broadcast %add3A_22 : i32 to vector<16xi32>
    %add3A_24 = arith.addi %iota3A, %add3A_23 : vector<16xi32>
    %dma_start3A = arith.constant 0 : i32
    %dma_start3A_25 = arith.constant 0 : i32
    %dma_start3A_26 = tpu.memref_slice %arg5[%dma_start3A, %dma_start3A_25] : memref<200x128xi32, #tpu.memory_space<vmem>> -> memref<1x128xi32, #tpu.memory_space<vmem>>
    %dma_start3A_27 = tpu.memref_squeeze %dma_start3A_26 : memref<1x128xi32, #tpu.memory_space<vmem>> -> memref<128xi32, #tpu.memory_space<vmem>>
    %dma_start3A_28 = arith.constant 0 : i32
    %dma_start3A_29 = arith.constant 0 : i32
    %dma_start3A_30 = tpu.memref_slice %arg2[%dma_start3A_28, %dma_start3A_29] : memref<1000064x64xf32, #tpu.memory_space<hbm>> -> memref<1000064x64xf32, #tpu.memory_space<hbm>>
    tpu.enqueue_indirect_dma source(%dma_start3A_30 : memref<1000064x64xf32, #tpu.memory_space<hbm>>) target(%arg6 : memref<128x64xf32, #tpu.memory_space<vmem>>) offsets(%dma_start3A_27 : memref<128xi32, #tpu.memory_space<vmem>>) semaphore(%arg10 : memref<!tpu.dma_semaphore, #tpu.memory_space<semaphore_mem>>)
    %dma_start3A_31 = arith.constant 1 : i32
    %dma_start3A_32 = arith.constant 0 : i32
    %dma_start3A_33 = tpu.memref_slice %arg5[%dma_start3A_31, %dma_start3A_32] : memref<200x128xi32, #tpu.memory_space<vmem>> -> memref<1x128xi32, #tpu.memory_space<vmem>>
    %dma_start3A_34 = tpu.memref_squeeze %dma_start3A_33 : memref<1x128xi32, #tpu.memory_space<vmem>> -> memref<128xi32, #tpu.memory_space<vmem>>
    %dma_start3A_35 = arith.constant 0 : i32
    %dma_start3A_36 = arith.constant 0 : i32
    %dma_start3A_37 = tpu.memref_slice %arg2[%dma_start3A_35, %dma_start3A_36] : memref<1000064x64xf32, #tpu.memory_space<hbm>> -> memref<1000064x64xf32, #tpu.memory_space<hbm>>
    tpu.enqueue_indirect_dma source(%dma_start3A_37 : memref<1000064x64xf32, #tpu.memory_space<hbm>>) target(%arg7 : memref<128x64xf32, #tpu.memory_space<vmem>>) offsets(%dma_start3A_34 : memref<128xi32, #tpu.memory_space<vmem>>) semaphore(%arg11 : memref<!tpu.dma_semaphore, #tpu.memory_space<semaphore_mem>>)
    %scan3A = arith.constant 0 : i32
    %scan3A_38 = arith.constant 0 : i32
    %scan3A_39 = arith.constant 100 : i32
    %scan3A_40 = arith.addi %scan3A_38, %scan3A_39 : i32
    %scan3A_41 = arith.constant 1 : i32
    scf.for %scan3A_60 = %scan3A_38 to %scan3A_40 step %scan3A_41  : i32 {
      %mul3A_61 = arith.constant 2 : i32
      %mul3A_62 = arith.muli %scan3A_60, %mul3A_61 : i32
      %add3A_63 = arith.constant 0 : i32
      %add3A_64 = arith.addi %mul3A_62, %add3A_63 : i32
      %dma_wait3A_65 = arith.constant 0 : i32
      %dma_wait3A_66 = arith.constant 0 : i32
      %dma_wait3A_67 = tpu.memref_slice %arg5[%dma_wait3A_65, %dma_wait3A_66] : memref<200x128xi32, #tpu.memory_space<vmem>> -> memref<1x128xi32, #tpu.memory_space<vmem>>
      %dma_wait3A_68 = tpu.memref_squeeze %dma_wait3A_67 : memref<1x128xi32, #tpu.memory_space<vmem>> -> memref<128xi32, #tpu.memory_space<vmem>>
      %dma_wait3A_69 = arith.constant 0 : i32
      %dma_wait3A_70 = arith.constant 0 : i32
      %dma_wait3A_71 = tpu.memref_slice %arg2[%dma_wait3A_69, %dma_wait3A_70] : memref<1000064x64xf32, #tpu.memory_space<hbm>> -> memref<1000064x64xf32, #tpu.memory_space<hbm>>
      tpu.wait_indirect_dma semaphore(%arg10 : memref<!tpu.dma_semaphore, #tpu.memory_space<semaphore_mem>>) src(%dma_wait3A_71 : memref<1000064x64xf32, #tpu.memory_space<hbm>>) dst(%arg6 : memref<128x64xf32, #tpu.memory_space<vmem>>)
      %ge3A = arith.constant 2 : i32
      %ge3A_72 = arith.cmpi sge, %mul3A_62, %ge3A : i32
      %convert_element_type3A = arith.extui %ge3A_72 : i1 to i32
      %cond3A = arith.constant 0 : i32
      %cond3A_73 = arith.cmpi ne, %convert_element_type3A, %cond3A : i32
      scf.if %cond3A_73 {
        %dma_wait3A_129 = arith.constant 0 : i32
        %dma_wait3A_130 = arith.constant 0 : i32
        %dma_wait3A_131 = arith.constant 0 : i32
        %dma_wait3A_132 = tpu.memref_slice %arg4[%dma_wait3A_129, %dma_wait3A_130, %add3A, %dma_wait3A_131] : memref<200x8x32x1024xf32, #tpu.memory_space<hbm>> -> memref<1x8x1x1024xf32, #tpu.memory_space<hbm>>
        %dma_wait3A_133 = tpu.memref_squeeze %dma_wait3A_132 : memref<1x8x1x1024xf32, #tpu.memory_space<hbm>> -> memref<8x1024xf32, #tpu.memory_space<hbm>>
        %dma_wait3A_134 = arith.constant 0 : i32
        %dma_wait3A_135 = arith.constant 0 : i32
        %dma_wait3A_136 = tpu.memref_slice %arg4[%dma_wait3A_129, %dma_wait3A_134, %add3A, %dma_wait3A_135] : memref<200x8x32x1024xf32, #tpu.memory_space<hbm>> -> memref<1x8x1x1024xf32, #tpu.memory_space<hbm>>
        %dma_wait3A_137 = tpu.memref_squeeze %dma_wait3A_136 : memref<1x8x1x1024xf32, #tpu.memory_space<hbm>> -> memref<8x1024xf32, #tpu.memory_space<hbm>>
        tpu.wait_dma2 semaphore(%arg12 : memref<!tpu.dma_semaphore, #tpu.memory_space<semaphore_mem>>) src(%arg8 : memref<8x1024xf32, #tpu.memory_space<vmem>>) dst(%dma_wait3A_137 : memref<8x1024xf32, #tpu.memory_space<hbm>>)
      } else {
      }
      %scan3A_74 = arith.constant 0 : i32
      %scan3A_75 = arith.constant 0 : i32
      %scan3A_76 = arith.constant 64 : i32
      %scan3A_77 = arith.addi %scan3A_75, %scan3A_76 : i32
      %scan3A_78 = arith.constant 2 : i32
      scf.for %scan3A_129 = %scan3A_75 to %scan3A_77 step %scan3A_78  : i32 {
        %add3A_130 = vector.broadcast %scan3A_129 : i32 to vector<16xi32>
        %add3A_131 = arith.addi %add3A_130, %iota3A : vector<16xi32>
        %and3A = arith.constant 63 : i32
        %and3A_132 = vector.broadcast %and3A : i32 to vector<16xi32>
        %and3A_133 = arith.andi %add3A_131, %and3A_132 : vector<16xi32>
        %shift_right_arithmetic3A = arith.constant 3 : i32
        %shift_right_arithmetic3A_134 = vector.broadcast %shift_right_arithmetic3A : i32 to vector<16xi32>
        %shift_right_arithmetic3A_135 = arith.shrsi %and3A_133, %shift_right_arithmetic3A_134 : vector<16xi32>
        %and3A_136 = arith.constant 7 : i32
        %and3A_137 = vector.broadcast %and3A_136 : i32 to vector<16xi32>
        %and3A_138 = arith.andi %and3A_133, %and3A_137 : vector<16xi32>
        %shift_left3A = arith.constant 7 : i32
        %shift_left3A_139 = vector.broadcast %shift_left3A : i32 to vector<16xi32>
        %shift_left3A_140 = arith.shli %and3A_138, %shift_left3A_139 : vector<16xi32>
        %gather3A = tpu.vector_load_idx %arg6[%add3A_3, %and3A_133] : memref<128x64xf32, #tpu.memory_space<vmem>>[vector<16xi32>, vector<16xi32>], vector<16xf32>,
        %gather3A_141 = tpu.vector_load_idx %arg6[%add3A_6, %and3A_133] : memref<128x64xf32, #tpu.memory_space<vmem>>[vector<16xi32>, vector<16xi32>], vector<16xf32>,
        %gather3A_142 = tpu.vector_load_idx %arg6[%add3A_9, %and3A_133] : memref<128x64xf32, #tpu.memory_space<vmem>>[vector<16xi32>, vector<16xi32>], vector<16xf32>,
        %gather3A_143 = tpu.vector_load_idx %arg6[%add3A_12, %and3A_133] : memref<128x64xf32, #tpu.memory_space<vmem>>[vector<16xi32>, vector<16xi32>], vector<16xf32>,
        %gather3A_144 = tpu.vector_load_idx %arg6[%add3A_15, %and3A_133] : memref<128x64xf32, #tpu.memory_space<vmem>>[vector<16xi32>, vector<16xi32>], vector<16xf32>,
        %gather3A_145 = tpu.vector_load_idx %arg6[%add3A_18, %and3A_133] : memref<128x64xf32, #tpu.memory_space<vmem>>[vector<16xi32>, vector<16xi32>], vector<16xf32>,
        %gather3A_146 = tpu.vector_load_idx %arg6[%add3A_21, %and3A_133] : memref<128x64xf32, #tpu.memory_space<vmem>>[vector<16xi32>, vector<16xi32>], vector<16xf32>,
        %gather3A_147 = tpu.vector_load_idx %arg6[%add3A_24, %and3A_133] : memref<128x64xf32, #tpu.memory_space<vmem>>[vector<16xi32>, vector<16xi32>], vector<16xf32>,
        %add3A_148 = arith.addi %shift_left3A_140, %add3A_3 : vector<16xi32>
        tpu.vector_store_idx %arg8[%shift_right_arithmetic3A_135, %add3A_148], %gather3A : memref<8x1024xf32, #tpu.memory_space<vmem>>[vector<16xi32>, vector<16xi32>], vector<16xf32>,
        %add3A_149 = arith.addi %shift_left3A_140, %add3A_6 : vector<16xi32>
        tpu.vector_store_idx %arg8[%shift_right_arithmetic3A_135, %add3A_149], %gather3A_141 : memref<8x1024xf32, #tpu.memory_space<vmem>>[vector<16xi32>, vector<16xi32>], vector<16xf32>,
        %add3A_150 = arith.addi %shift_left3A_140, %add3A_9 : vector<16xi32>
        tpu.vector_store_idx %arg8[%shift_right_arithmetic3A_135, %add3A_150], %gather3A_142 : memref<8x1024xf32, #tpu.memory_space<vmem>>[vector<16xi32>, vector<16xi32>], vector<16xf32>,
        %add3A_151 = arith.addi %shift_left3A_140, %add3A_12 : vector<16xi32>
        tpu.vector_store_idx %arg8[%shift_right_arithmetic3A_135, %add3A_151], %gather3A_143 : memref<8x1024xf32, #tpu.memory_space<vmem>>[vector<16xi32>, vector<16xi32>], vector<16xf32>,
        %add3A_152 = arith.addi %shift_left3A_140, %add3A_15 : vector<16xi32>
        tpu.vector_store_idx %arg8[%shift_right_arithmetic3A_135, %add3A_152], %gather3A_144 : memref<8x1024xf32, #tpu.memory_space<vmem>>[vector<16xi32>, vector<16xi32>], vector<16xf32>,
        %add3A_153 = arith.addi %shift_left3A_140, %add3A_18 : vector<16xi32>
        tpu.vector_store_idx %arg8[%shift_right_arithmetic3A_135, %add3A_153], %gather3A_145 : memref<8x1024xf32, #tpu.memory_space<vmem>>[vector<16xi32>, vector<16xi32>], vector<16xf32>,
        %add3A_154 = arith.addi %shift_left3A_140, %add3A_21 : vector<16xi32>
        tpu.vector_store_idx %arg8[%shift_right_arithmetic3A_135, %add3A_154], %gather3A_146 : memref<8x1024xf32, #tpu.memory_space<vmem>>[vector<16xi32>, vector<16xi32>], vector<16xf32>,
        %add3A_155 = arith.addi %shift_left3A_140, %add3A_24 : vector<16xi32>
        tpu.vector_store_idx %arg8[%shift_right_arithmetic3A_135, %add3A_155], %gather3A_147 : memref<8x1024xf32, #tpu.memory_space<vmem>>[vector<16xi32>, vector<16xi32>], vector<16xf32>,
        %scan3A_156 = arith.constant 1 : i32
        %scan3A_157 = arith.addi %scan3A_129, %scan3A_156 : i32
        %add3A_158 = vector.broadcast %scan3A_157 : i32 to vector<16xi32>
        %add3A_159 = arith.addi %add3A_158, %iota3A : vector<16xi32>
        %and3A_160 = arith.constant 63 : i32
        %and3A_161 = vector.broadcast %and3A_160 : i32 to vector<16xi32>
        %and3A_162 = arith.andi %add3A_159, %and3A_161 : vector<16xi32>
        %shift_right_arithmetic3A_163 = arith.constant 3 : i32
        %shift_right_arithmetic3A_164 = vector.broadcast %shift_right_arithmetic3A_163 : i32 to vector<16xi32>
        %shift_right_arithmetic3A_165 = arith.shrsi %and3A_162, %shift_right_arithmetic3A_164 : vector<16xi32>
        %and3A_166 = arith.constant 7 : i32
        %and3A_167 = vector.broadcast %and3A_166 : i32 to vector<16xi32>
        %and3A_168 = arith.andi %and3A_162, %and3A_167 : vector<16xi32>
        %shift_left3A_169 = arith.constant 7 : i32
        %shift_left3A_170 = vector.broadcast %shift_left3A_169 : i32 to vector<16xi32>
        %shift_left3A_171 = arith.shli %and3A_168, %shift_left3A_170 : vector<16xi32>
        %gather3A_172 = tpu.vector_load_idx %arg6[%add3A_3, %and3A_162] : memref<128x64xf32, #tpu.memory_space<vmem>>[vector<16xi32>, vector<16xi32>], vector<16xf32>,
        %gather3A_173 = tpu.vector_load_idx %arg6[%add3A_6, %and3A_162] : memref<128x64xf32, #tpu.memory_space<vmem>>[vector<16xi32>, vector<16xi32>], vector<16xf32>,
        %gather3A_174 = tpu.vector_load_idx %arg6[%add3A_9, %and3A_162] : memref<128x64xf32, #tpu.memory_space<vmem>>[vector<16xi32>, vector<16xi32>], vector<16xf32>,
        %gather3A_175 = tpu.vector_load_idx %arg6[%add3A_12, %and3A_162] : memref<128x64xf32, #tpu.memory_space<vmem>>[vector<16xi32>, vector<16xi32>], vector<16xf32>,
        %gather3A_176 = tpu.vector_load_idx %arg6[%add3A_15, %and3A_162] : memref<128x64xf32, #tpu.memory_space<vmem>>[vector<16xi32>, vector<16xi32>], vector<16xf32>,
        %gather3A_177 = tpu.vector_load_idx %arg6[%add3A_18, %and3A_162] : memref<128x64xf32, #tpu.memory_space<vmem>>[vector<16xi32>, vector<16xi32>], vector<16xf32>,
        %gather3A_178 = tpu.vector_load_idx %arg6[%add3A_21, %and3A_162] : memref<128x64xf32, #tpu.memory_space<vmem>>[vector<16xi32>, vector<16xi32>], vector<16xf32>,
        %gather3A_179 = tpu.vector_load_idx %arg6[%add3A_24, %and3A_162] : memref<128x64xf32, #tpu.memory_space<vmem>>[vector<16xi32>, vector<16xi32>], vector<16xf32>,
        %add3A_180 = arith.addi %shift_left3A_171, %add3A_3 : vector<16xi32>
        tpu.vector_store_idx %arg8[%shift_right_arithmetic3A_165, %add3A_180], %gather3A_172 : memref<8x1024xf32, #tpu.memory_space<vmem>>[vector<16xi32>, vector<16xi32>], vector<16xf32>,
        %add3A_181 = arith.addi %shift_left3A_171, %add3A_6 : vector<16xi32>
        tpu.vector_store_idx %arg8[%shift_right_arithmetic3A_165, %add3A_181], %gather3A_173 : memref<8x1024xf32, #tpu.memory_space<vmem>>[vector<16xi32>, vector<16xi32>], vector<16xf32>,
        %add3A_182 = arith.addi %shift_left3A_171, %add3A_9 : vector<16xi32>
        tpu.vector_store_idx %arg8[%shift_right_arithmetic3A_165, %add3A_182], %gather3A_174 : memref<8x1024xf32, #tpu.memory_space<vmem>>[vector<16xi32>, vector<16xi32>], vector<16xf32>,
        %add3A_183 = arith.addi %shift_left3A_171, %add3A_12 : vector<16xi32>
        tpu.vector_store_idx %arg8[%shift_right_arithmetic3A_165, %add3A_183], %gather3A_175 : memref<8x1024xf32, #tpu.memory_space<vmem>>[vector<16xi32>, vector<16xi32>], vector<16xf32>,
        %add3A_184 = arith.addi %shift_left3A_171, %add3A_15 : vector<16xi32>
        tpu.vector_store_idx %arg8[%shift_right_arithmetic3A_165, %add3A_184], %gather3A_176 : memref<8x1024xf32, #tpu.memory_space<vmem>>[vector<16xi32>, vector<16xi32>], vector<16xf32>,
        %add3A_185 = arith.addi %shift_left3A_171, %add3A_18 : vector<16xi32>
        tpu.vector_store_idx %arg8[%shift_right_arithmetic3A_165, %add3A_185], %gather3A_177 : memref<8x1024xf32, #tpu.memory_space<vmem>>[vector<16xi32>, vector<16xi32>], vector<16xf32>,
        %add3A_186 = arith.addi %shift_left3A_171, %add3A_21 : vector<16xi32>
        tpu.vector_store_idx %arg8[%shift_right_arithmetic3A_165, %add3A_186], %gather3A_178 : memref<8x1024xf32, #tpu.memory_space<vmem>>[vector<16xi32>, vector<16xi32>], vector<16xf32>,
        %add3A_187 = arith.addi %shift_left3A_171, %add3A_24 : vector<16xi32>
        tpu.vector_store_idx %arg8[%shift_right_arithmetic3A_165, %add3A_187], %gather3A_179 : memref<8x1024xf32, #tpu.memory_space<vmem>>[vector<16xi32>, vector<16xi32>], vector<16xf32>,
      }
      %scan3A_79 = arith.constant 64 : i32
      %dma_start3A_80 = arith.constant 0 : i32
      %dma_start3A_81 = arith.constant 0 : i32
      %dma_start3A_82 = tpu.memref_slice %arg4[%add3A_64, %dma_start3A_80, %add3A, %dma_start3A_81] : memref<200x8x32x1024xf32, #tpu.memory_space<hbm>> -> memref<1x8x1x1024xf32, #tpu.memory_space<hbm>>
      %dma_start3A_83 = tpu.memref_squeeze %dma_start3A_82 : memref<1x8x1x1024xf32, #tpu.memory_space<hbm>> -> memref<8x1024xf32, #tpu.memory_space<hbm>>
      %dma_start3A_84 = arith.constant 0 : i32
      %dma_start3A_85 = arith.constant 0 : i32
      %dma_start3A_86 = tpu.memref_slice %arg4[%add3A_64, %dma_start3A_84, %add3A, %dma_start3A_85] : memref<200x8x32x1024xf32, #tpu.memory_space<hbm>> -> memref<1x8x1x1024xf32, #tpu.memory_space<hbm>>
      %dma_start3A_87 = tpu.memref_squeeze %dma_start3A_86 : memref<1x8x1x1024xf32, #tpu.memory_space<hbm>> -> memref<8x1024xf32, #tpu.memory_space<hbm>>
      tpu.enqueue_dma source(%arg8 : memref<8x1024xf32, #tpu.memory_space<vmem>>) target(%dma_start3A_87 : memref<8x1024xf32, #tpu.memory_space<hbm>>) target_semaphore(%arg12 : memref<!tpu.dma_semaphore, #tpu.memory_space<semaphore_mem>>)
      %add3A_88 = arith.constant 2 : i32
      %add3A_89 = arith.addi %mul3A_62, %add3A_88 : i32
      %lt3A = arith.constant 200 : i32
      %lt3A_90 = arith.cmpi slt, %add3A_89, %lt3A : i32
      %convert_element_type3A_91 = arith.extui %lt3A_90 : i1 to i32
      %cond3A_92 = arith.constant 0 : i32
      %cond3A_93 = arith.cmpi ne, %convert_element_type3A_91, %cond3A_92 : i32
      scf.if %cond3A_93 {
        %add3A_129 = arith.constant 2 : i32
        %add3A_130 = arith.addi %add3A_64, %add3A_129 : i32
        %dma_start3A_131 = arith.constant 0 : i32
        %dma_start3A_132 = tpu.memref_slice %arg5[%add3A_130, %dma_start3A_131] : memref<200x128xi32, #tpu.memory_space<vmem>> -> memref<1x128xi32, #tpu.memory_space<vmem>>
        %dma_start3A_133 = tpu.memref_squeeze %dma_start3A_132 : memref<1x128xi32, #tpu.memory_space<vmem>> -> memref<128xi32, #tpu.memory_space<vmem>>
        %dma_start3A_134 = arith.constant 0 : i32
        %dma_start3A_135 = arith.constant 0 : i32
        %dma_start3A_136 = tpu.memref_slice %arg2[%dma_start3A_134, %dma_start3A_135] : memref<1000064x64xf32, #tpu.memory_space<hbm>> -> memref<1000064x64xf32, #tpu.memory_space<hbm>>
        tpu.enqueue_indirect_dma source(%dma_start3A_136 : memref<1000064x64xf32, #tpu.memory_space<hbm>>) target(%arg6 : memref<128x64xf32, #tpu.memory_space<vmem>>) offsets(%dma_start3A_133 : memref<128xi32, #tpu.memory_space<vmem>>) semaphore(%arg10 : memref<!tpu.dma_semaphore, #tpu.memory_space<semaphore_mem>>)
      } else {
      }
      %add3A_94 = arith.constant 1 : i32
      %add3A_95 = arith.addi %mul3A_62, %add3A_94 : i32
      %dma_wait3A_96 = arith.constant 0 : i32
      %dma_wait3A_97 = arith.constant 0 : i32
      %dma_wait3A_98 = tpu.memref_slice %arg5[%dma_wait3A_96, %dma_wait3A_97] : memref<200x128xi32, #tpu.memory_space<vmem>> -> memref<1x128xi32, #tpu.memory_space<vmem>>
      %dma_wait3A_99 = tpu.memref_squeeze %dma_wait3A_98 : memref<1x128xi32, #tpu.memory_space<vmem>> -> memref<128xi32, #tpu.memory_space<vmem>>
      %dma_wait3A_100 = arith.constant 0 : i32
      %dma_wait3A_101 = arith.constant 0 : i32
      %dma_wait3A_102 = tpu.memref_slice %arg2[%dma_wait3A_100, %dma_wait3A_101] : memref<1000064x64xf32, #tpu.memory_space<hbm>> -> memref<1000064x64xf32, #tpu.memory_space<hbm>>
      tpu.wait_indirect_dma semaphore(%arg11 : memref<!tpu.dma_semaphore, #tpu.memory_space<semaphore_mem>>) src(%dma_wait3A_102 : memref<1000064x64xf32, #tpu.memory_space<hbm>>) dst(%arg7 : memref<128x64xf32, #tpu.memory_space<vmem>>)
      %ge3A_103 = arith.constant 2 : i32
      %ge3A_104 = arith.cmpi sge, %mul3A_62, %ge3A_103 : i32
      %convert_element_type3A_105 = arith.extui %ge3A_104 : i1 to i32
      %cond3A_106 = arith.constant 0 : i32
      %cond3A_107 = arith.cmpi ne, %convert_element_type3A_105, %cond3A_106 : i32
      scf.if %cond3A_107 {
        %dma_wait3A_129 = arith.constant 0 : i32
        %dma_wait3A_130 = arith.constant 0 : i32
        %dma_wait3A_131 = arith.constant 0 : i32
        %dma_wait3A_132 = tpu.memref_slice %arg4[%dma_wait3A_129, %dma_wait3A_130, %add3A, %dma_wait3A_131] : memref<200x8x32x1024xf32, #tpu.memory_space<hbm>> -> memref<1x8x1x1024xf32, #tpu.memory_space<hbm>>
        %dma_wait3A_133 = tpu.memref_squeeze %dma_wait3A_132 : memref<1x8x1x1024xf32, #tpu.memory_space<hbm>> -> memref<8x1024xf32, #tpu.memory_space<hbm>>
        %dma_wait3A_134 = arith.constant 0 : i32
        %dma_wait3A_135 = arith.constant 0 : i32
        %dma_wait3A_136 = tpu.memref_slice %arg4[%dma_wait3A_129, %dma_wait3A_134, %add3A, %dma_wait3A_135] : memref<200x8x32x1024xf32, #tpu.memory_space<hbm>> -> memref<1x8x1x1024xf32, #tpu.memory_space<hbm>>
        %dma_wait3A_137 = tpu.memref_squeeze %dma_wait3A_136 : memref<1x8x1x1024xf32, #tpu.memory_space<hbm>> -> memref<8x1024xf32, #tpu.memory_space<hbm>>
        tpu.wait_dma2 semaphore(%arg13 : memref<!tpu.dma_semaphore, #tpu.memory_space<semaphore_mem>>) src(%arg9 : memref<8x1024xf32, #tpu.memory_space<vmem>>) dst(%dma_wait3A_137 : memref<8x1024xf32, #tpu.memory_space<hbm>>)
      } else {
      }
      %scan3A_108 = arith.constant 0 : i32
      %scan3A_109 = arith.constant 0 : i32
      %scan3A_110 = arith.constant 64 : i32
      %scan3A_111 = arith.addi %scan3A_109, %scan3A_110 : i32
      %scan3A_112 = arith.constant 2 : i32
      scf.for %scan3A_129 = %scan3A_109 to %scan3A_111 step %scan3A_112  : i32 {
        %add3A_130 = vector.broadcast %scan3A_129 : i32 to vector<16xi32>
        %add3A_131 = arith.addi %add3A_130, %iota3A : vector<16xi32>
        %and3A = arith.constant 63 : i32
        %and3A_132 = vector.broadcast %and3A : i32 to vector<16xi32>
        %and3A_133 = arith.andi %add3A_131, %and3A_132 : vector<16xi32>
        %shift_right_arithmetic3A = arith.constant 3 : i32
        %shift_right_arithmetic3A_134 = vector.broadcast %shift_right_arithmetic3A : i32 to vector<16xi32>
        %shift_right_arithmetic3A_135 = arith.shrsi %and3A_133, %shift_right_arithmetic3A_134 : vector<16xi32>
        %and3A_136 = arith.constant 7 : i32
        %and3A_137 = vector.broadcast %and3A_136 : i32 to vector<16xi32>
        %and3A_138 = arith.andi %and3A_133, %and3A_137 : vector<16xi32>
        %shift_left3A = arith.constant 7 : i32
        %shift_left3A_139 = vector.broadcast %shift_left3A : i32 to vector<16xi32>
        %shift_left3A_140 = arith.shli %and3A_138, %shift_left3A_139 : vector<16xi32>
        %gather3A = tpu.vector_load_idx %arg7[%add3A_3, %and3A_133] : memref<128x64xf32, #tpu.memory_space<vmem>>[vector<16xi32>, vector<16xi32>], vector<16xf32>,
        %gather3A_141 = tpu.vector_load_idx %arg7[%add3A_6, %and3A_133] : memref<128x64xf32, #tpu.memory_space<vmem>>[vector<16xi32>, vector<16xi32>], vector<16xf32>,
        %gather3A_142 = tpu.vector_load_idx %arg7[%add3A_9, %and3A_133] : memref<128x64xf32, #tpu.memory_space<vmem>>[vector<16xi32>, vector<16xi32>], vector<16xf32>,
        %gather3A_143 = tpu.vector_load_idx %arg7[%add3A_12, %and3A_133] : memref<128x64xf32, #tpu.memory_space<vmem>>[vector<16xi32>, vector<16xi32>], vector<16xf32>,
        %gather3A_144 = tpu.vector_load_idx %arg7[%add3A_15, %and3A_133] : memref<128x64xf32, #tpu.memory_space<vmem>>[vector<16xi32>, vector<16xi32>], vector<16xf32>,
        %gather3A_145 = tpu.vector_load_idx %arg7[%add3A_18, %and3A_133] : memref<128x64xf32, #tpu.memory_space<vmem>>[vector<16xi32>, vector<16xi32>], vector<16xf32>,
        %gather3A_146 = tpu.vector_load_idx %arg7[%add3A_21, %and3A_133] : memref<128x64xf32, #tpu.memory_space<vmem>>[vector<16xi32>, vector<16xi32>], vector<16xf32>,
        %gather3A_147 = tpu.vector_load_idx %arg7[%add3A_24, %and3A_133] : memref<128x64xf32, #tpu.memory_space<vmem>>[vector<16xi32>, vector<16xi32>], vector<16xf32>,
        %add3A_148 = arith.addi %shift_left3A_140, %add3A_3 : vector<16xi32>
        tpu.vector_store_idx %arg9[%shift_right_arithmetic3A_135, %add3A_148], %gather3A : memref<8x1024xf32, #tpu.memory_space<vmem>>[vector<16xi32>, vector<16xi32>], vector<16xf32>,
        %add3A_149 = arith.addi %shift_left3A_140, %add3A_6 : vector<16xi32>
        tpu.vector_store_idx %arg9[%shift_right_arithmetic3A_135, %add3A_149], %gather3A_141 : memref<8x1024xf32, #tpu.memory_space<vmem>>[vector<16xi32>, vector<16xi32>], vector<16xf32>,
        %add3A_150 = arith.addi %shift_left3A_140, %add3A_9 : vector<16xi32>
        tpu.vector_store_idx %arg9[%shift_right_arithmetic3A_135, %add3A_150], %gather3A_142 : memref<8x1024xf32, #tpu.memory_space<vmem>>[vector<16xi32>, vector<16xi32>], vector<16xf32>,
        %add3A_151 = arith.addi %shift_left3A_140, %add3A_12 : vector<16xi32>
        tpu.vector_store_idx %arg9[%shift_right_arithmetic3A_135, %add3A_151], %gather3A_143 : memref<8x1024xf32, #tpu.memory_space<vmem>>[vector<16xi32>, vector<16xi32>], vector<16xf32>,
        %add3A_152 = arith.addi %shift_left3A_140, %add3A_15 : vector<16xi32>
        tpu.vector_store_idx %arg9[%shift_right_arithmetic3A_135, %add3A_152], %gather3A_144 : memref<8x1024xf32, #tpu.memory_space<vmem>>[vector<16xi32>, vector<16xi32>], vector<16xf32>,
        %add3A_153 = arith.addi %shift_left3A_140, %add3A_18 : vector<16xi32>
        tpu.vector_store_idx %arg9[%shift_right_arithmetic3A_135, %add3A_153], %gather3A_145 : memref<8x1024xf32, #tpu.memory_space<vmem>>[vector<16xi32>, vector<16xi32>], vector<16xf32>,
        %add3A_154 = arith.addi %shift_left3A_140, %add3A_21 : vector<16xi32>
        tpu.vector_store_idx %arg9[%shift_right_arithmetic3A_135, %add3A_154], %gather3A_146 : memref<8x1024xf32, #tpu.memory_space<vmem>>[vector<16xi32>, vector<16xi32>], vector<16xf32>,
        %add3A_155 = arith.addi %shift_left3A_140, %add3A_24 : vector<16xi32>
        tpu.vector_store_idx %arg9[%shift_right_arithmetic3A_135, %add3A_155], %gather3A_147 : memref<8x1024xf32, #tpu.memory_space<vmem>>[vector<16xi32>, vector<16xi32>], vector<16xf32>,
        %scan3A_156 = arith.constant 1 : i32
        %scan3A_157 = arith.addi %scan3A_129, %scan3A_156 : i32
        %add3A_158 = vector.broadcast %scan3A_157 : i32 to vector<16xi32>
        %add3A_159 = arith.addi %add3A_158, %iota3A : vector<16xi32>
        %and3A_160 = arith.constant 63 : i32
        %and3A_161 = vector.broadcast %and3A_160 : i32 to vector<16xi32>
        %and3A_162 = arith.andi %add3A_159, %and3A_161 : vector<16xi32>
        %shift_right_arithmetic3A_163 = arith.constant 3 : i32
        %shift_right_arithmetic3A_164 = vector.broadcast %shift_right_arithmetic3A_163 : i32 to vector<16xi32>
        %shift_right_arithmetic3A_165 = arith.shrsi %and3A_162, %shift_right_arithmetic3A_164 : vector<16xi32>
        %and3A_166 = arith.constant 7 : i32
        %and3A_167 = vector.broadcast %and3A_166 : i32 to vector<16xi32>
        %and3A_168 = arith.andi %and3A_162, %and3A_167 : vector<16xi32>
        %shift_left3A_169 = arith.constant 7 : i32
        %shift_left3A_170 = vector.broadcast %shift_left3A_169 : i32 to vector<16xi32>
        %shift_left3A_171 = arith.shli %and3A_168, %shift_left3A_170 : vector<16xi32>
        %gather3A_172 = tpu.vector_load_idx %arg7[%add3A_3, %and3A_162] : memref<128x64xf32, #tpu.memory_space<vmem>>[vector<16xi32>, vector<16xi32>], vector<16xf32>,
        %gather3A_173 = tpu.vector_load_idx %arg7[%add3A_6, %and3A_162] : memref<128x64xf32, #tpu.memory_space<vmem>>[vector<16xi32>, vector<16xi32>], vector<16xf32>,
        %gather3A_174 = tpu.vector_load_idx %arg7[%add3A_9, %and3A_162] : memref<128x64xf32, #tpu.memory_space<vmem>>[vector<16xi32>, vector<16xi32>], vector<16xf32>,
        %gather3A_175 = tpu.vector_load_idx %arg7[%add3A_12, %and3A_162] : memref<128x64xf32, #tpu.memory_space<vmem>>[vector<16xi32>, vector<16xi32>], vector<16xf32>,
        %gather3A_176 = tpu.vector_load_idx %arg7[%add3A_15, %and3A_162] : memref<128x64xf32, #tpu.memory_space<vmem>>[vector<16xi32>, vector<16xi32>], vector<16xf32>,
        %gather3A_177 = tpu.vector_load_idx %arg7[%add3A_18, %and3A_162] : memref<128x64xf32, #tpu.memory_space<vmem>>[vector<16xi32>, vector<16xi32>], vector<16xf32>,
        %gather3A_178 = tpu.vector_load_idx %arg7[%add3A_21, %and3A_162] : memref<128x64xf32, #tpu.memory_space<vmem>>[vector<16xi32>, vector<16xi32>], vector<16xf32>,
        %gather3A_179 = tpu.vector_load_idx %arg7[%add3A_24, %and3A_162] : memref<128x64xf32, #tpu.memory_space<vmem>>[vector<16xi32>, vector<16xi32>], vector<16xf32>,
        %add3A_180 = arith.addi %shift_left3A_171, %add3A_3 : vector<16xi32>
        tpu.vector_store_idx %arg9[%shift_right_arithmetic3A_165, %add3A_180], %gather3A_172 : memref<8x1024xf32, #tpu.memory_space<vmem>>[vector<16xi32>, vector<16xi32>], vector<16xf32>,
        %add3A_181 = arith.addi %shift_left3A_171, %add3A_6 : vector<16xi32>
        tpu.vector_store_idx %arg9[%shift_right_arithmetic3A_165, %add3A_181], %gather3A_173 : memref<8x1024xf32, #tpu.memory_space<vmem>>[vector<16xi32>, vector<16xi32>], vector<16xf32>,
        %add3A_182 = arith.addi %shift_left3A_171, %add3A_9 : vector<16xi32>
        tpu.vector_store_idx %arg9[%shift_right_arithmetic3A_165, %add3A_182], %gather3A_174 : memref<8x1024xf32, #tpu.memory_space<vmem>>[vector<16xi32>, vector<16xi32>], vector<16xf32>,
        %add3A_183 = arith.addi %shift_left3A_171, %add3A_12 : vector<16xi32>
        tpu.vector_store_idx %arg9[%shift_right_arithmetic3A_165, %add3A_183], %gather3A_175 : memref<8x1024xf32, #tpu.memory_space<vmem>>[vector<16xi32>, vector<16xi32>], vector<16xf32>,
        %add3A_184 = arith.addi %shift_left3A_171, %add3A_15 : vector<16xi32>
        tpu.vector_store_idx %arg9[%shift_right_arithmetic3A_165, %add3A_184], %gather3A_176 : memref<8x1024xf32, #tpu.memory_space<vmem>>[vector<16xi32>, vector<16xi32>], vector<16xf32>,
        %add3A_185 = arith.addi %shift_left3A_171, %add3A_18 : vector<16xi32>
        tpu.vector_store_idx %arg9[%shift_right_arithmetic3A_165, %add3A_185], %gather3A_177 : memref<8x1024xf32, #tpu.memory_space<vmem>>[vector<16xi32>, vector<16xi32>], vector<16xf32>,
        %add3A_186 = arith.addi %shift_left3A_171, %add3A_21 : vector<16xi32>
        tpu.vector_store_idx %arg9[%shift_right_arithmetic3A_165, %add3A_186], %gather3A_178 : memref<8x1024xf32, #tpu.memory_space<vmem>>[vector<16xi32>, vector<16xi32>], vector<16xf32>,
        %add3A_187 = arith.addi %shift_left3A_171, %add3A_24 : vector<16xi32>
        tpu.vector_store_idx %arg9[%shift_right_arithmetic3A_165, %add3A_187], %gather3A_179 : memref<8x1024xf32, #tpu.memory_space<vmem>>[vector<16xi32>, vector<16xi32>], vector<16xf32>,
      }
      %scan3A_113 = arith.constant 64 : i32
      %dma_start3A_114 = arith.constant 0 : i32
      %dma_start3A_115 = arith.constant 0 : i32
      %dma_start3A_116 = tpu.memref_slice %arg4[%add3A_95, %dma_start3A_114, %add3A, %dma_start3A_115] : memref<200x8x32x1024xf32, #tpu.memory_space<hbm>> -> memref<1x8x1x1024xf32, #tpu.memory_space<hbm>>
      %dma_start3A_117 = tpu.memref_squeeze %dma_start3A_116 : memref<1x8x1x1024xf32, #tpu.memory_space<hbm>> -> memref<8x1024xf32, #tpu.memory_space<hbm>>
      %dma_start3A_118 = arith.constant 0 : i32
      %dma_start3A_119 = arith.constant 0 : i32
      %dma_start3A_120 = tpu.memref_slice %arg4[%add3A_95, %dma_start3A_118, %add3A, %dma_start3A_119] : memref<200x8x32x1024xf32, #tpu.memory_space<hbm>> -> memref<1x8x1x1024xf32, #tpu.memory_space<hbm>>
      %dma_start3A_121 = tpu.memref_squeeze %dma_start3A_120 : memref<1x8x1x1024xf32, #tpu.memory_space<hbm>> -> memref<8x1024xf32, #tpu.memory_space<hbm>>
      tpu.enqueue_dma source(%arg9 : memref<8x1024xf32, #tpu.memory_space<vmem>>) target(%dma_start3A_121 : memref<8x1024xf32, #tpu.memory_space<hbm>>) target_semaphore(%arg13 : memref<!tpu.dma_semaphore, #tpu.memory_space<semaphore_mem>>)
      %add3A_122 = arith.constant 2 : i32
      %add3A_123 = arith.addi %mul3A_62, %add3A_122 : i32
      %lt3A_124 = arith.constant 200 : i32
      %lt3A_125 = arith.cmpi slt, %add3A_123, %lt3A_124 : i32
      %convert_element_type3A_126 = arith.extui %lt3A_125 : i1 to i32
      %cond3A_127 = arith.constant 0 : i32
      %cond3A_128 = arith.cmpi ne, %convert_element_type3A_126, %cond3A_127 : i32
      scf.if %cond3A_128 {
        %add3A_129 = arith.constant 2 : i32
        %add3A_130 = arith.addi %add3A_95, %add3A_129 : i32
        %dma_start3A_131 = arith.constant 0 : i32
        %dma_start3A_132 = tpu.memref_slice %arg5[%add3A_130, %dma_start3A_131] : memref<200x128xi32, #tpu.memory_space<vmem>> -> memref<1x128xi32, #tpu.memory_space<vmem>>
        %dma_start3A_133 = tpu.memref_squeeze %dma_start3A_132 : memref<1x128xi32, #tpu.memory_space<vmem>> -> memref<128xi32, #tpu.memory_space<vmem>>
        %dma_start3A_134 = arith.constant 0 : i32
        %dma_start3A_135 = arith.constant 0 : i32
        %dma_start3A_136 = tpu.memref_slice %arg2[%dma_start3A_134, %dma_start3A_135] : memref<1000064x64xf32, #tpu.memory_space<hbm>> -> memref<1000064x64xf32, #tpu.memory_space<hbm>>
        tpu.enqueue_indirect_dma source(%dma_start3A_136 : memref<1000064x64xf32, #tpu.memory_space<hbm>>) target(%arg7 : memref<128x64xf32, #tpu.memory_space<vmem>>) offsets(%dma_start3A_133 : memref<128xi32, #tpu.memory_space<vmem>>) semaphore(%arg11 : memref<!tpu.dma_semaphore, #tpu.memory_space<semaphore_mem>>)
      } else {
      }
    }
    %scan3A_42 = arith.constant 100 : i32
    %dma_wait3A = arith.constant 0 : i32
    %dma_wait3A_43 = arith.constant 0 : i32
    %dma_wait3A_44 = arith.constant 0 : i32
    %dma_wait3A_45 = tpu.memref_slice %arg4[%dma_wait3A, %dma_wait3A_43, %add3A, %dma_wait3A_44] : memref<200x8x32x1024xf32, #tpu.memory_space<hbm>> -> memref<1x8x1x1024xf32, #tpu.memory_space<hbm>>
    %dma_wait3A_46 = tpu.memref_squeeze %dma_wait3A_45 : memref<1x8x1x1024xf32, #tpu.memory_space<hbm>> -> memref<8x1024xf32, #tpu.memory_space<hbm>>
    %dma_wait3A_47 = arith.constant 0 : i32
    %dma_wait3A_48 = arith.constant 0 : i32
    %dma_wait3A_49 = tpu.memref_slice %arg4[%dma_wait3A, %dma_wait3A_47, %add3A, %dma_wait3A_48] : memref<200x8x32x1024xf32, #tpu.memory_space<hbm>> -> memref<1x8x1x1024xf32, #tpu.memory_space<hbm>>
    %dma_wait3A_50 = tpu.memref_squeeze %dma_wait3A_49 : memref<1x8x1x1024xf32, #tpu.memory_space<hbm>> -> memref<8x1024xf32, #tpu.memory_space<hbm>>
    tpu.wait_dma2 semaphore(%arg12 : memref<!tpu.dma_semaphore, #tpu.memory_space<semaphore_mem>>) src(%arg8 : memref<8x1024xf32, #tpu.memory_space<vmem>>) dst(%dma_wait3A_50 : memref<8x1024xf32, #tpu.memory_space<hbm>>)
    %dma_wait3A_51 = arith.constant 0 : i32
    %dma_wait3A_52 = arith.constant 0 : i32
    %dma_wait3A_53 = arith.constant 0 : i32
    %dma_wait3A_54 = tpu.memref_slice %arg4[%dma_wait3A_51, %dma_wait3A_52, %add3A, %dma_wait3A_53] : memref<200x8x32x1024xf32, #tpu.memory_space<hbm>> -> memref<1x8x1x1024xf32, #tpu.memory_space<hbm>>
    %dma_wait3A_55 = tpu.memref_squeeze %dma_wait3A_54 : memref<1x8x1x1024xf32, #tpu.memory_space<hbm>> -> memref<8x1024xf32, #tpu.memory_space<hbm>>
    %dma_wait3A_56 = arith.constant 0 : i32
    %dma_wait3A_57 = arith.constant 0 : i32
    %dma_wait3A_58 = tpu.memref_slice %arg4[%dma_wait3A_51, %dma_wait3A_56, %add3A, %dma_wait3A_57] : memref<200x8x32x1024xf32, #tpu.memory_space<hbm>> -> memref<1x8x1x1024xf32, #tpu.memory_space<hbm>>
    %dma_wait3A_59 = tpu.memref_squeeze %dma_wait3A_58 : memref<1x8x1x1024xf32, #tpu.memory_space<hbm>> -> memref<8x1024xf32, #tpu.memory_space<hbm>>
    tpu.wait_dma2 semaphore(%arg13 : memref<!tpu.dma_semaphore, #tpu.memory_space<semaphore_mem>>) src(%arg9 : memref<8x1024xf32, #tpu.memory_space<vmem>>) dst(%dma_wait3A_59 : memref<8x1024xf32, #tpu.memory_space<hbm>>)
    return
  }
}

</mosaic_0001>

<sc_bundles>
// kernel: kernel.4.cloned.1.call-start
scs
__scs_entry_jumppad:
0x0: {  	(pc) =	sbr.rel $0x88, $3  }
0x1: {  	(tag) =	ssettag $0x0;
	lr =	simm.s32 $0x1  }
0x2: {  	[smem:$0x3F9F] =	sst lr;
	_ =	strace $0xD0000000  }
0x3: {  	_ = 	snop  }
0x4: {  	_ = 	snop  }
0x5: {  	_ = 	snop  }
0x6: {  	_ = 	snop  }
0x7: {  	_ = 	snop  }
__scs_overlays_trampoline_lowered:
0x8: {  	[smem:$0x3FAE] =	sst s0  }
0x9: {  	[smem:$0x3FAF] =	sst s1  }
0xa: {  	[smem:$0x3FB0] =	sst s2  }
0xb: {  	[smem:$0x3FB1] =	sst s3  }
0xc: {  	[smem:$0x3FB2] =	sst s4  }
0xd: {  	[smem:$0x3FB3] =	sst s5  }
0xe: {  	[smem:$0x3FB4] =	sst s6  }
0xf: {  	[smem:$0x3FB5] =	sst s7  }
0x10: {  	[smem:$0x3FB6] =	sst s8  }
0x11: {  	[smem:$0x3FB7] =	sst s9;
	s0 =	simm.s32 @!p0 $0x0  }
0x12: {  	s1 =	sld [smem:$0x3F9D];
	s0 =	simm.s32 @p0 $0x1  }
0x13: {  	[smem:$0x3FB8] =	sst s0;
	s0 =	simm.s32 @!p1 $0x0  }
0x14: {  	s2 =	sld [smem:$0x3F9C];
	s0 =	simm.s32 @p1 $0x1  }
0x15: {  	[smem:$0x3FB9] =	sst s0;
	s0 =	simm.s32 @!p2 $0x0  }
0x16: {  	s3 =	sld [smem:$0x3FDB];
	s0 =	simm.s32 @p2 $0x1  }
0x17: {  	s4 =	simm.s32 $0x1BF5;
	[smem:$0x3FBB] =	sst s0  }
0x18: {  	s0 =	sld [smem:$0x3F9E];
	_ =	swait.ge [sflag:s4], $0x0  }
0x19: {  	s7 =	sld [smem:$0x3F9F]  }
0x1a: {  	s8 =	sadd.s32 $0xFFFFE003, lr  }
0x1b: {  	s9 =	sadd.s32 $0xFFFFFEF7, lr;
	s5 =	simm.s32 $0xFFFFFFFF;
	p2 =	slt.u32 s8, $0xFFFFF086  }
0x1c: {  	p1 =	slt.u32 s9, $0xF7A;
	s5 =	simm.s32 @!p2 $0x0  }
0x1d: {  	s5 =	simm.s32 @p1 $0x1;
	p0 =	seq.s32 s7, s2  }
0x1e: {  	s7 =	smul.u32 @!p0 $0xF7A, s2;
	p2 =	seq.s32 @!p0 s5, $0x0  }
0x1f: {  	s9 =	smul.u32 $0xF7A, s1;
	s8 =	simm.s32 @!p0 $0x1BF5;
	p2 =	por !p2, p0  }
0x20: {  	[sflag:s8] =	ssyncset.s32 @!p0 $0xFFFFF086;
	s6 =	sadd.s32 @!p0 s3, s7;
	s7 =	simm.s32 @!p0 $0x108  }
0x21: {  	s3 =	sadd.s32 s3, s9;
	s6 =	sadd.s32 @!p0 $0x88, s6;
	s7 =	simm.s32 @p2 $0x1082  }
0x22: {  	[simem:s7], [sflag:s8] =	dma.local @!p0 [hbm:s6], $0xF7A  }
0x23: {  	s9 =	sor.u32 $0xD0000000, s2;
	s6 =	simm.s32 $0x108;
	_ =	swait.ge @!p0 [sflag:s8], $0x0  }
0x24: {  	s3 =	sadd.s32 $0x88, s3;
	s6 =	simm.s32 @!p1 $0x1082;
	[sflag:s4] =	ssyncset.s32 $0xFFFFF086  }
0x25: {  	[simem:s6], [sflag:s4] =	dma.local [hbm:s3], $0xF7A  }
0x26: {  	[smem:$0x3F9F] =	sst s1;
	(tag) =	ssettag s2;
	_ =	strace s9  }
0x27: {  	s1 =	sld [smem:$0x3FAF]  }
0x28: {  	s2 =	sld [smem:$0x3FB0]  }
0x29: {  	s4 =	sld [smem:$0x3FB2]  }
0x2a: {  	p0 =	seq.s32 s5, $0x0;
	s5 =	sld [smem:$0x3FB3]  }
0x2b: {  	s6 =	sld [smem:$0x3FB4]  }
0x2c: {  	s7 =	sld [smem:$0x3FB5]  }
0x2d: {  	s3 =	simm.s32 $0x108;
	s8 =	sld [smem:$0x3FB6]  }
0x2e: {  	s3 =	simm.s32 @!p0 $0x1082;
	s9 =	sld [smem:$0x3FB7]  }
0x2f: {  	lr =	sadd.s32 s0, s3;
	s0 =	sld [smem:$0x3FAE]  }
0x30: {  	s3 =	sld [smem:$0x3FB1]  }
0x31: {  	[smem:$0x3FBA] =	sst s10  }
0x32: {  	s10 =	sld [smem:$0x3FB8];
	_ =	sdelay $0x3  }
0x33: {  	p0 =	seq.s32 s10, $0x1;
	s10 =	sld [smem:$0x3FBA];
	_ =	sdelay $0x3  }
0x34: {  	[smem:$0x3FBA] =	sst s10  }
0x35: {  	s10 =	sld [smem:$0x3FB9];
	_ =	sdelay $0x3  }
0x36: {  	p1 =	seq.s32 s10, $0x1;
	s10 =	sld [smem:$0x3FBA];
	_ =	sdelay $0x3  }
0x37: {  	[smem:$0x3FBA] =	sst s10  }
0x38: {  	s10 =	sld [smem:$0x3FBB]  }
0x39: {  	_ = 	snop;
	(pc) =	sbr.ind lr, $3  }
0x3a: {  	_ = 	snop  }
0x3b: {  	_ = 	snop  }
0x3c: {  	p2 =	seq.s32 s10, $0x1;
	s10 =	sld [smem:$0x3FBA]  }
0x3d: {  	_ =	shalt  }
0x3e: {  	_ =	shalt  }
0x3f: {  	_ =	shalt  }
0x40: {  	_ =	shalt  }
0x41: {  	_ =	shalt  }
0x42: {  	_ =	shalt  }
0x43: {  	_ =	shalt  }
0x44: {  	_ =	shalt  }
0x45: {  	_ =	shalt  }
0x46: {  	_ =	shalt  }
0x47: {  	_ =	shalt  }
0x48: {  	_ =	shalt  }
0x49: {  	_ =	shalt  }
0x4a: {  	_ =	shalt  }
0x4b: {  	_ =	shalt  }
0x4c: {  	_ =	shalt  }
0x4d: {  	_ =	shalt  }
0x4e: {  	_ =	shalt  }
0x4f: {  	_ =	shalt  }
0x50: {  	_ =	shalt  }
0x51: {  	_ =	shalt  }
0x52: {  	_ =	shalt  }
0x53: {  	_ =	shalt  }
0x54: {  	_ =	shalt  }
0x55: {  	_ =	shalt  }
0x56: {  	_ =	shalt  }
0x57: {  	_ =	shalt  }
0x58: {  	_ =	shalt  }
0x59: {  	_ =	shalt  }
0x5a: {  	_ =	shalt  }
0x5b: {  	_ =	shalt  }
0x5c: {  	_ =	shalt  }
0x5d: {  	_ =	shalt  }
0x5e: {  	_ =	shalt  }
0x5f: {  	_ =	shalt  }
0x60: {  	_ =	shalt  }
0x61: {  	_ =	shalt  }
0x62: {  	_ =	shalt  }
0x63: {  	_ =	shalt  }
0x64: {  	_ =	shalt  }
0x65: {  	_ =	shalt  }
0x66: {  	_ =	shalt  }
0x67: {  	_ =	shalt  }
0x68: {  	_ =	shalt  }
0x69: {  	_ =	shalt  }
0x6a: {  	_ =	shalt  }
0x6b: {  	_ =	shalt  }
0x6c: {  	_ =	shalt  }
0x6d: {  	_ =	shalt  }
0x6e: {  	_ =	shalt  }
0x6f: {  	_ =	shalt  }
0x70: {  	_ =	shalt  }
0x71: {  	_ =	shalt  }
0x72: {  	_ =	shalt  }
0x73: {  	_ =	shalt  }
0x74: {  	_ =	shalt  }
0x75: {  	_ =	shalt  }
0x76: {  	_ =	shalt  }
0x77: {  	_ =	shalt  }
0x78: {  	_ =	shalt  }
0x79: {  	_ =	shalt  }
0x7a: {  	_ =	shalt  }
0x7b: {  	_ =	shalt  }
0x7c: {  	_ =	shalt  }
0x7d: {  	_ =	shalt  }
0x7e: {  	_ =	shalt  }
0x7f: {  	_ =	shalt  }
0x80: {  	_ =	shalt  }
0x81: {  	_ =	shalt  }
0x82: {  	_ =	shalt  }
0x83: {  	_ =	shalt  }
0x84: {  	_ =	shalt  }
0x85: {  	_ =	shalt  }
0x86: {  	_ =	shalt  }
0x87: {  	_ =	shalt  }
.Lfunc_end0:
.L_simem_size_0:
called_computation_lowered:
.L_overlay_start_0:
0x88: {  	s2 =	sld [smem:$0x3FD9]  }
0x89: {  	s3 =	sld [smem:$0x3FFE];
	_ =	sdelay $0x1  }
0x8a: {  	s1 =	srdreg.scid  }
0x8b: {  	s0 =	sand.u32 $0x1, s1  }
0x8c: {  	s17 =	sshll.u32 s0, $0xA;
	s2 =	sadd.s32 s3, s2  }
0x8d: {  	s2 =	sadd.s32 s2, s17  }
0x8e: {  	[smem:$0x3FC6] =	sst s2  }
0x8f: {  	_ = 	snop  }
0x90: {  	s2 =	sld [smem:$0x3FC8]  }
0x91: {  	s18 =	sld [smem:$0x3FD0];
	(tm) =	ssettm $0x1  }
0x92: {  	s4 =	sld [smem:$0x3FFB];
	_ =	sdelay $0x3  }
0x93: {  	_ =	strace s4  }
0x94: {  	s4 =	sld [smem:$0x3FFC];
	_ =	sdelay $0x3  }
0x95: {  	_ =	strace s4  }
0x96: {  	s4 =	sld [smem:$0x3FFD];
	_ =	sdelay $0x3  }
0x97: {  	_ =	strace s4  }
0x98: {  	_ =	strace $0x8FFFFFFF  }
0x99: {  	s19 =	sld [smem:$0x3FDB];
	_ =	sdelay $0x1  }
0x9a: {  	s5 =	simm.s32 $_scs_section_size  }
0x9b: {  	s6 =	simm.s32 $_size__tile_overlayer_lowered;
	s7 =	simm.s32 $_tile_overlayer_lowered  }
0x9c: {  	s22 =	simm.s32 $0x1BFF;
	s21 =	sshll.u32 s7, $0x1;
	s4 =	sadd.s32 s5, s19  }
0x9d: {  	s8 =	simm.s32 $0x0;
	s20 =	sshll.u32 s6, $0x1;
	s6 =	sadd.s32 s21, s4  }
0x9e: {  	[timem:s8], [sflag:s22] =	dma.local [hbm:s6], s20  }
0x9f: {  	_ =	swait.ge [sflag:s22], s20  }
0xa0: {  	s5 =	ssub.s32 $0x0, s20;
	[sflag:s22] =	ssyncset.done $0x0  }
0xa1: {  	[sflag:s22] =	ssyncadd.s32 s5;
	_ =	sdelay $0x1  }
0xa2: {  	s23 =	simm.s32 $0x1B8B  }
0xa3: {  	_ =	swait.ge [sflag:s23], $0x1  }
0xa4: {  	[sflag:s23] =	ssyncset.done $0x0  }
0xa5: {  	s25 =	simm.s32 $0x1B8E;
	s24 =	sld [smem:$0x3FFE];
	[sflag:s23] =	ssyncadd.s32 $0xFFFFFFFF  }
0xa6: {  	s26 =	simm.s32 $execute0_lowered;
	[smem:$0x3FD2] =	sst s25  }
0xa7: {  	s6 =	sshll.u32 s26, $0x1;
	_ =	strace $0x80000046;
	[dreg:$0x1] =	wrdreg $0xFFFFFFFF  }
0xa8: {  	s28 =	simm.s32 $_size_execute0_lowered;
	s4 =	sadd.s32 s4, s6;
	[dreg:$0x0] =	wrdreg $0x0  }
0xa9: {  	s6 =	sshll.u32 s28, $0x1;
	[dreg:$0x2] =	wrdreg s4  }
0xaa: {  	[dreg:$0x3] =	wrdreg s6  }
0xab: {  	[dreg:$0x4] =	wrdreg $0xC0  }
0xac: {  	_ =	task [dreg:s8], $0x5FFFF  }
0xad: {  	[dreg:$0x1] =	wrdreg $0xFFFFFFFF  }
0xae: {  	[dreg:$0x0] =	wrdreg $0x60  }
0xaf: {  	[dreg:$0x2] =	wrdreg s2  }
0xb0: {  	[dreg:$0x3] =	wrdreg s18  }
0xb1: {  	[dreg:$0x4] =	wrdreg s24  }
0xb2: {  	[dreg:$0x5] =	wrdreg $0x9  }
0xb3: {  	_ =	task.clear_ibuf [dreg:s8], $0x6FFFF;
	_ =	strace $0x90000046  }
0xb4: {  	s29 =	simm.s32 $0x9;
	_ =	strace $0x80000048  }
0xb5: {  	_ =	swait.ge [sflag:s29], $0x1  }
0xb6: {  	[sflag:s29] =	ssyncadd.s32 $0xFFFFFFFF  }
0xb7: {  	_ =	strace $0x90000048  }
0xb8: {  	_ =	sfence  }
0xb9: {  	s30 =	sld [smem:$0x0];
	_ =	sdelay $0x2  }
0xba: {  	s31 =	sshll.u32 s1, $0xD;
	s1 =	sshrl.u32 s1, $0x2  }
0xbb: {  	s3 =	sand.u32 $0x4000, s31;
	s1 =	sadd.s32 s1, s30  }
0xbc: {  	s0 =	sor.u32 s3, s0;
	s1 =	sshll.u32 s1, $0x11  }
0xbd: {  	s0 =	sor.u32 s1, s0  }
0xbe: {  	s0 =	sadd.s32 $0x8F2B, s0  }
0xbf: {  	[sflag:s0] =	ssyncadd.remote.s32 $0x1  }
0xc0: {  	_ =	sfence.sel $0xFFFF  }
0xc1: {  	[dreg:$0x0] =	wrdreg $0xFFFFFFFF;
	(pc) =	sbr.abs _section_cstart, $3  }
0xc2: {  	[dreg:$0x1] =	wrdreg $0xFFFFFFFF  }
0xc3: {  	_ =	task.clear_ibuf [dreg:s8], $0x2FFFF;
	_ =	strace $0x9FFFFFFF  }
0xc4: {  	(tm) =	ssettm $0x7FFFFFFF  }
0xc5: {  	_ =	shalt  }
tec
execute0_lowered:
.L_overlay_start_1:
0x0: {  	(tag) =	ssettag $0x1  }
0x1: {  	s10 =	rddreg [dreg:$0x0]  }
0x2: {  	s1 =	rddreg [dreg:$0x1]  }
0x3: {  	s11 =	rddreg [dreg:$0x2];
	s3 =	simm.s32 $0x0  }
0x4: {  	s4 =	srdreg.scid;
	s2 =	stileid.u32;
	s16 =	simm.s32 $0x7A1400  }
0x5: {  	s17 =	simm.s32 $0x2000;
	s18 =	simm.s32 $0x1;
	s19 =	simm.s32 $0x4000  }
0x6: {  	s20 =	simm.s32 $0x2;
	s21 =	simm.s32 $0x4;
	s22 =	simm.s32 $0x6000  }
0x7: {  	s23 =	simm.s32 $0x3;
	[smem:$0x7FF] =	sst s3;
	s4 =	sand.u32 $0x1, s4  }
0x8: {  	s5 =	sshll.u32 s2, $0x1;
	p0 =	sgt.u32 s2, $0x1;
	_ =	strace $0x80000047  }
0x9: {  	s6 =	ssub.s32 $0x2, s4;
	s24 =	sor.u32 s4, s5;
	s4 =	sadd.s32 $0xA00, s11  }
0xa: {  	s11 =	sadd.s32 $0x7A1A00, s11;
	s31 =	sshrl.u32 s6, $0x1;
	s7 =	sshll.u32 s24, $0x7  }
0xb: {  	v0 =	vlaneseq.u32;
	s13 =	sshll.u32 s24, $0xA;
	s12 =	sor.u32 $0x1E80, s24;
	p1 =	sne.s32 s24, $0x4  }
.Ltmp0:
0xc: {  	v1 =	vor.u32 $0x10, v0;
	v2 =	vor.u32 $0x20, v0;
	v3 =	vmul.u32 $0x40, v0;
	s24 =	simm.s32 $0x0;
	s15 =	ssub.s32 s6, s31;
	(pc) =	sbr.rel .LBB2_1-.Ltmp0, $4  }
0xd: {  	v4 =	vor.u32 $0x30, v0;
	v5 =	vor.u32 $0x40, v0;
	v6 =	vor.u32 $0x50, v0;
	s5 =	sadd.s32 s10, s7;
	s7 =	sadd.s32 s4, s13;
	s14 =	sshll.u32 s12, $0x7  }
0xe: {  	v7 =	vor.u32 $0x60, v0;
	v8 =	vor.u32 $0x70, v0;
	v9 =	vor.u32 $0x400, v3;
	s12 =	sshll.u32 s12, $0xA;
	s13 =	sor.u32 $0x8000, s13;
	s6 =	sadd.s32 $0x1000, s5  }
0xf: {  	v10 =	vor.u32 $0x800, v3;
	v11 =	vor.u32 $0xC00, v3;
	v12 =	vor.u32 $0x1000, v3;
	s8 =	sadd.s32 $0x2000, s5;
	s9 =	sadd.s32 $0x3000, s5;
	s10 =	sadd.s32 s10, s14  }
0x10: {  	v13 =	vor.u32 $0x1400, v3;
	v14 =	vor.u32 $0x1800, v3;
	v15 =	vor.u32 $0x1C00, v3;
	s12 =	sadd.s32 s4, s12;
	s14 =	simm.s32 $0x400;
	s15 =	smax.u32 s15, $0x1  }
.LBB2_16:
0x11: {  	s0 =	simm.s32 @!p1 $0x0;
	s25 =	simm.s32 @!p1 $0x8000;
	s26 =	simm.s32 @!p1 $0x5  }
0x12: {  	[tilespmem:s25], [sflag:$0x5] =	stream.linear.gather @!p1 [hbm4b:s1+s0], $0x1000, $0x38;
	[tilespmem:$0x9000] =	vst v63  }
0x13: {  	_ =	swait.ge @!p1 [sflag:s26], $0x1000  }
0x14: {  	[sflag:s26] =	ssyncset.done @!p1 $0x0  }
0x15: {  	[sflag:s26] =	ssyncadd.s32 @!p1 $0xFFFFF000  }
0x16: {  	[hbm4b:s11+s0] =	stream.linear.scatter @!p1 [tilespmem:s25], [sflag:$0x5], $0x1000, $0x38;
	[tilespmem:$0x9000] =	vst v63  }
0x17: {  	_ =	swait.ge @!p1 [sflag:s26], $0x1000  }
0x18: {  	[sflag:s26] =	ssyncset.done @!p1 $0x0  }
0x19: {  	s24 =	sadd.s32 $0x1, s24;
	[sflag:s26] =	ssyncadd.s32 @!p1 $0xFFFFF000  }
0x1a: {  	p2 =	sne.s32 s24, s15;
	_ =	swait.ge [sflag:s23], $0x2000  }
.Ltmp1:
0x1b: {  	[sflag:s23] =	ssyncset.done $0x0;
	(pc) =	sbr.rel @!p2 .LBB2_17-.Ltmp1, $4  }
0x1c: {  	[sflag:s23] =	ssyncadd.s32 $0xFFFFE000  }
0x1d: {  	_ =	swait.ge [sflag:s21], $0x2000  }
0x1e: {  	[sflag:s21] =	ssyncset.done $0x0  }
0x1f: {  	[sflag:s21] =	ssyncadd.s32 $0xFFFFE000  }
.LBB2_1:
0x20: {  	[tilespmem:s3], [sflag:$0x1] =	stream.strided.gather [hbm4b:s5+s14], $0x2000, s16, s14, $0x38;
	[tilespmem:$0x9000] =	vst v63  }
0x21: {  	s25 =	simm.s32 $0x0  }
0x22: {  	[tilespmem:s17], [sflag:$0x2] =	stream.strided.gather [hbm4b:s6+s14], $0x2000, s16, s14, $0x38;
	[tilespmem:$0x9000] =	vst v63  }
.LBB2_2:
0x23: {  	s26 =	simm.s32 $0x0  }
0x24: {  	v16 =	vadd.s32 s26, v0  }
0x25: {  	v16 =	vand.u32 $0x3F, v16  }
0x26: {  	_ =	swait.ge [sflag:s18], $0x2000;
	v17 =	vshll.u32 v16, $0x7  }
0x27: {  	p2 =	seq.s32 s25, $0x0;
	[sflag:s18] =	ssyncset.done $0x0;
	v18 =	vor.u32 v1, v17  }
0x28: {  	s26 =	simm.s32 @!p2 $0x3;
	[sflag:s18] =	ssyncadd.s32 $0xFFFFE000;
	v19 =	vor.u32 v2, v17  }
0x29: {  	_ =	swait.ge @!p2 [sflag:s26], $0x2000;
	v20 =	vor.u32 v0, v17  }
0x2a: {  	[sflag:s26] =	ssyncset.done @!p2 $0x0;
	v21 =	vor.u32 v7, v17  }
0x2b: {  	v22 =	vor.u32 v5, v17;
	[sflag:s26] =	ssyncadd.s32 @!p2 $0xFFFFE000  }
0x2c: {  	v23 =	vor.u32 v4, v17;
	v18 =	vld.idx.msk [tilespmem:v18+s3+$0x0], $0xffff  }
0x2d: {  	v24 =	vor.u32 v8, v17;
	v19 =	vld.idx.msk [tilespmem:v19+s3+$0x0], $0xffff  }
0x2e: {  	v25 =	vor.u32 v3, v16;
	v17 =	vor.u32 v6, v17;
	v20 =	vld.idx.msk [tilespmem:v20+s3+$0x0], $0xffff  }
0x2f: {  	v26 =	vor.u32 v9, v16;
	v21 =	vld.idx.msk [tilespmem:v21+s3+$0x0], $0xffff  }
0x30: {  	v27 =	vor.u32 v10, v16;
	v22 =	vld.idx.msk [tilespmem:v22+s3+$0x0], $0xffff  }
0x31: {  	v28 =	vor.u32 v11, v16;
	v23 =	vld.idx.msk [tilespmem:v23+s3+$0x0], $0xffff  }
0x32: {  	s31 =	simm.s32 $0x1;
	v30 =	vor.u32 v12, v16;
	v24 =	vld.idx.msk [tilespmem:v24+s3+$0x0], $0xffff  }
0x33: {  	v29 =	vld.idx.msk [tilespmem:v17+s3+$0x0], $0xffff;
	v17 =	vadd.s32 s31, v0;
	[tilespmem:v25+s19+$0x0] =	vst.idx.msk $0xffff, v20;
	v20 =	vor.u32 v13, v16  }
0x34: {  	v17 =	vand.u32 $0x3F, v17;
	[tilespmem:v26+s19+$0x0] =	vst.idx.msk $0xffff, v18;
	v18 =	vor.u32 v14, v16  }
0x35: {  	v16 =	vor.u32 v15, v16;
	v26 =	vshll.u32 v17, $0x7;
	[tilespmem:v27+s19+$0x0] =	vst.idx.msk $0xffff, v19  }
0x36: {  	v19 =	vor.u32 v1, v26;
	[tilespmem:v28+s19+$0x0] =	vst.idx.msk $0xffff, v23  }
0x37: {  	v23 =	vor.u32 v0, v26;
	[tilespmem:v30+s19+$0x0] =	vst.idx.msk $0xffff, v22  }
0x38: {  	v31 =	vor.u32 v6, v26;
	[tilespmem:v20+s19+$0x0] =	vst.idx.msk $0xffff, v29  }
0x39: {  	v22 =	vor.u32 v7, v26;
	[tilespmem:v18+s19+$0x0] =	vst.idx.msk $0xffff, v21  }
0x3a: {  	v21 =	vor.u32 v2, v26;
	[tilespmem:v16+s19+$0x0] =	vst.idx.msk $0xffff, v24  }
0x3b: {  	v16 =	vor.u32 v4, v26;
	v20 =	vld.idx.msk [tilespmem:v19+s3+$0x0], $0xffff  }
0x3c: {  	v24 =	vor.u32 v5, v26;
	v25 =	vld.idx.msk [tilespmem:v23+s3+$0x0], $0xffff  }
0x3d: {  	v32 =	vor.u32 v8, v26;
	v26 =	vld.idx.msk [tilespmem:v31+s3+$0x0], $0xffff  }
0x3e: {  	s28 =	simm.s32 $0x2;
	v28 =	vor.u32 v3, v17;
	v19 =	vld.idx.msk [tilespmem:v22+s3+$0x0], $0xffff  }
0x3f: {  	v29 =	vor.u32 v9, v17;
	v22 =	vadd.s32 s28, v0;
	v21 =	vld.idx.msk [tilespmem:v21+s3+$0x0], $0xffff  }
0x40: {  	v27 =	vor.u32 v10, v17;
	v30 =	vor.u32 v11, v17;
	v23 =	vld.idx.msk [tilespmem:v16+s3+$0x0], $0xffff;
	v16 =	vand.u32 $0x3F, v22  }
0x41: {  	s29 =	simm.s32 $0x4;
	s26 =	sshll.u32 s25, $0xD;
	v18 =	vor.u32 v13, v17;
	v31 =	vor.u32 v12, v17;
	v24 =	vld.idx.msk [tilespmem:v24+s3+$0x0], $0xffff;
	v22 =	vshll.u32 v16, $0x7  }
.LBB2_3:
0x42: {  	p3 =	slt.u32 s29, $0x3E;
	v33 =	vor.u32 v0, v22;
	v32 =	vld.idx.msk [tilespmem:v32+s3+$0x0], $0xffff;
	s30 =	smov.u32 s29;
	s29 =	sadd.s32 $0x2, s29  }
0x43: {  	v34 =	vor.u32 v1, v22;
	[tilespmem:v28+s19+$0x0] =	vst.idx.msk $0xffff, v25;
	v25 =	vor.u32 v14, v17  }
0x44: {  	v28 =	vor.u32 v2, v22;
	v17 =	vor.u32 v15, v17;
	[tilespmem:v29+s19+$0x0] =	vst.idx.msk $0xffff, v20  }
0x45: {  	v20 =	vor.u32 v4, v22;
	[tilespmem:v27+s19+$0x0] =	vst.idx.msk $0xffff, v21  }
0x46: {  	v21 =	vor.u32 v5, v22;
	v27 =	vor.u32 v8, v22;
	[tilespmem:v30+s19+$0x0] =	vst.idx.msk $0xffff, v23  }
0x47: {  	v23 =	vor.u32 v6, v22;
	v22 =	vor.u32 v7, v22;
	[tilespmem:v31+s19+$0x0] =	vst.idx.msk $0xffff, v24  }
0x48: {  	[tilespmem:v18+s19+$0x0] =	vst.idx.msk $0xffff, v26  }
0x49: {  	[tilespmem:v25+s19+$0x0] =	vst.idx.msk $0xffff, v19  }
0x4a: {  	[tilespmem:v17+s19+$0x0] =	vst.idx.msk $0xffff, v32  }
0x4b: {  	v17 =	vld.idx.msk [tilespmem:v34+s3+$0x0], $0xffff  }
0x4c: {  	v18 =	vld.idx.msk [tilespmem:v28+s3+$0x0], $0xffff  }
0x4d: {  	v19 =	vld.idx.msk [tilespmem:v33+s3+$0x0], $0xffff  }
0x4e: {  	v24 =	vor.u32 v3, v16;
	v22 =	vld.idx.msk [tilespmem:v22+s3+$0x0], $0xffff  }
0x4f: {  	v25 =	vor.u32 v9, v16;
	v21 =	vld.idx.msk [tilespmem:v21+s3+$0x0], $0xffff  }
0x50: {  	v26 =	vor.u32 v10, v16;
	v20 =	vld.idx.msk [tilespmem:v20+s3+$0x0], $0xffff  }
0x51: {  	v28 =	vor.u32 v11, v16;
	v27 =	vld.idx.msk [tilespmem:v27+s3+$0x0], $0xffff  }
0x52: {  	s31 =	sadd.s32 $0x1, s28;
	s28 =	smov.u32 s30;
	v29 =	vor.u32 v12, v16;
	v23 =	vld.idx.msk [tilespmem:v23+s3+$0x0], $0xffff  }
0x53: {  	[tilespmem:v24+s19+$0x0] =	vst.idx.msk $0xffff, v19;
	v19 =	vor.u32 v13, v16;
	v24 =	vadd.s32 s31, v0  }
0x54: {  	[tilespmem:v25+s19+$0x0] =	vst.idx.msk $0xffff, v17;
	v25 =	vor.u32 v14, v16;
	v17 =	vand.u32 $0x3F, v24  }
0x55: {  	v16 =	vor.u32 v15, v16;
	[tilespmem:v26+s19+$0x0] =	vst.idx.msk $0xffff, v18;
	v24 =	vshll.u32 v17, $0x7;
	v18 =	vor.u32 v13, v17  }
0x56: {  	[tilespmem:v28+s19+$0x0] =	vst.idx.msk $0xffff, v20;
	v20 =	vor.u32 v1, v24  }
0x57: {  	v26 =	vor.u32 v7, v24;
	[tilespmem:v29+s19+$0x0] =	vst.idx.msk $0xffff, v21;
	v21 =	vor.u32 v0, v24  }
0x58: {  	[tilespmem:v19+s19+$0x0] =	vst.idx.msk $0xffff, v23  }
0x59: {  	[tilespmem:v25+s19+$0x0] =	vst.idx.msk $0xffff, v22;
	v22 =	vor.u32 v2, v24  }
0x5a: {  	[tilespmem:v16+s19+$0x0] =	vst.idx.msk $0xffff, v27;
	v16 =	vor.u32 v4, v24  }
0x5b: {  	v30 =	vor.u32 v5, v24;
	v20 =	vld.idx.msk [tilespmem:v20+s3+$0x0], $0xffff  }
0x5c: {  	v31 =	vor.u32 v6, v24;
	v19 =	vld.idx.msk [tilespmem:v26+s3+$0x0], $0xffff  }
.Ltmp2:
0x5d: {  	v32 =	vor.u32 v8, v24;
	v28 =	vor.u32 v3, v17;
	v25 =	vld.idx.msk [tilespmem:v21+s3+$0x0], $0xffff;
	(pc) =	sbr.rel @p3 .LBB2_3-.Ltmp2, $4  }
0x5e: {  	v29 =	vor.u32 v9, v17;
	v21 =	vld.idx.msk [tilespmem:v22+s3+$0x0], $0xffff  }
0x5f: {  	v27 =	vor.u32 v10, v17;
	v22 =	vadd.s32 s28, v0;
	v23 =	vld.idx.msk [tilespmem:v16+s3+$0x0], $0xffff  }
0x60: {  	v16 =	vand.u32 $0x3F, v22;
	v24 =	vld.idx.msk [tilespmem:v30+s3+$0x0], $0xffff;
	v30 =	vor.u32 v11, v17  }
0x61: {  	v22 =	vshll.u32 v16, $0x7;
	v26 =	vld.idx.msk [tilespmem:v31+s3+$0x0], $0xffff;
	v31 =	vor.u32 v12, v17  }
0x62: {  	_ =	sdelay $0x3  }
0x63: {  	v32 =	vld.idx.msk [tilespmem:v32+s3+$0x0], $0xffff;
	[tilespmem:v28+s19+$0x0] =	vst.idx.msk $0xffff, v25  }
0x64: {  	v35 =	vor.u32 v14, v17;
	[tilespmem:v29+s19+$0x0] =	vst.idx.msk $0xffff, v20  }
0x65: {  	v17 =	vor.u32 v15, v17;
	[tilespmem:v27+s19+$0x0] =	vst.idx.msk $0xffff, v21  }
0x66: {  	v36 =	vor.u32 v1, v22;
	[tilespmem:v30+s19+$0x0] =	vst.idx.msk $0xffff, v23  }
0x67: {  	v37 =	vor.u32 v2, v22;
	[tilespmem:v31+s19+$0x0] =	vst.idx.msk $0xffff, v24  }
0x68: {  	v38 =	vor.u32 v0, v22;
	[tilespmem:v18+s19+$0x0] =	vst.idx.msk $0xffff, v26  }
0x69: {  	v39 =	vor.u32 v7, v22;
	[tilespmem:v35+s19+$0x0] =	vst.idx.msk $0xffff, v19  }
0x6a: {  	v40 =	vor.u32 v5, v22;
	[tilespmem:v17+s19+$0x0] =	vst.idx.msk $0xffff, v32  }
0x6b: {  	v17 =	vor.u32 v4, v22;
	v20 =	vld.idx.msk [tilespmem:v36+s3+$0x0], $0xffff  }
0x6c: {  	v41 =	vor.u32 v8, v22;
	v21 =	vld.idx.msk [tilespmem:v37+s3+$0x0], $0xffff  }
0x6d: {  	v42 =	vor.u32 v6, v22;
	v43 =	vor.u32 v3, v16;
	v23 =	vld.idx.msk [tilespmem:v38+s3+$0x0], $0xffff  }
0x6e: {  	v44 =	vor.u32 v9, v16;
	v18 =	vld.idx.msk [tilespmem:v39+s3+$0x0], $0xffff  }
0x6f: {  	v45 =	vor.u32 v10, v16;
	v19 =	vld.idx.msk [tilespmem:v40+s3+$0x0], $0xffff  }
0x70: {  	v46 =	vor.u32 v11, v16;
	v17 =	vld.idx.msk [tilespmem:v17+s3+$0x0], $0xffff  }
0x71: {  	v47 =	vor.u32 v12, v16;
	s28 =	sadd.s32 $0x1, s28;
	v24 =	vld.idx.msk [tilespmem:v41+s3+$0x0], $0xffff  }
0x72: {  	v48 =	vor.u32 v13, v16;
	v49 =	vadd.s32 s28, v0;
	v22 =	vld.idx.msk [tilespmem:v42+s3+$0x0], $0xffff;
	[tilespmem:v43+s19+$0x0] =	vst.idx.msk $0xffff, v23  }
0x73: {  	v50 =	vor.u32 v14, v16;
	v25 =	vand.u32 $0x3F, v49;
	[tilespmem:v44+s19+$0x0] =	vst.idx.msk $0xffff, v20  }
0x74: {  	v16 =	vor.u32 v15, v16;
	v51 =	vshll.u32 v25, $0x7;
	[tilespmem:v45+s19+$0x0] =	vst.idx.msk $0xffff, v21  }
0x75: {  	[tilespmem:v46+s19+$0x0] =	vst.idx.msk $0xffff, v17;
	v17 =	vor.u32 v1, v51  }
0x76: {  	v52 =	vor.u32 v7, v51;
	[tilespmem:v47+s19+$0x0] =	vst.idx.msk $0xffff, v19  }
0x77: {  	v53 =	vor.u32 v0, v51;
	[tilespmem:v48+s19+$0x0] =	vst.idx.msk $0xffff, v22  }
0x78: {  	v54 =	vor.u32 v2, v51;
	[tilespmem:v50+s19+$0x0] =	vst.idx.msk $0xffff, v18  }
0x79: {  	v55 =	vor.u32 v5, v51;
	[tilespmem:v16+s19+$0x0] =	vst.idx.msk $0xffff, v24  }
0x7a: {  	v16 =	vor.u32 v4, v51;
	v17 =	vld.idx.msk [tilespmem:v17+s3+$0x0], $0xffff  }
0x7b: {  	v56 =	vor.u32 v6, v51;
	v19 =	vld.idx.msk [tilespmem:v52+s3+$0x0], $0xffff  }
0x7c: {  	v57 =	vor.u32 v3, v25;
	v21 =	vor.u32 v8, v51;
	v23 =	vld.idx.msk [tilespmem:v53+s3+$0x0], $0xffff  }
0x7d: {  	v58 =	vor.u32 v9, v25;
	v18 =	vld.idx.msk [tilespmem:v54+s3+$0x0], $0xffff  }
0x7e: {  	v59 =	vor.u32 v10, v25;
	v20 =	vld.idx.msk [tilespmem:v55+s3+$0x0], $0xffff  }
0x7f: {  	v60 =	vor.u32 v11, v25;
	v16 =	vld.idx.msk [tilespmem:v16+s3+$0x0], $0xffff  }
0x80: {  	v61 =	vor.u32 v12, v25;
	v22 =	vld.idx.msk [tilespmem:v56+s3+$0x0], $0xffff  }
0x81: {  	v62 =	vor.u32 v13, v25;
	v21 =	vld.idx.msk [tilespmem:v21+s3+$0x0], $0xffff;
	[tilespmem:v57+s19+$0x0] =	vst.idx.msk $0xffff, v23  }
0x82: {  	v63 =	vor.u32 v14, v25;
	[tilespmem:v58+s19+$0x0] =	vst.idx.msk $0xffff, v17  }
0x83: {  	v17 =	vor.u32 v15, v25;
	[tilespmem:v59+s19+$0x0] =	vst.idx.msk $0xffff, v18  }
0x84: {  	p3 =	sne.s32 s25, $0x79;
	[tilespmem:v60+s19+$0x0] =	vst.idx.msk $0xffff, v16  }
.Ltmp3:
0x85: {  	[tilespmem:v61+s19+$0x0] =	vst.idx.msk $0xffff, v20;
	(pc) =	sbr.rel @p3 .LBB2_6-.Ltmp3, $4  }
0x86: {  	[tilespmem:v62+s19+$0x0] =	vst.idx.msk $0xffff, v22  }
0x87: {  	s28 =	sshll.u32 s25, $0x10;
	[tilespmem:v63+s19+$0x0] =	vst.idx.msk $0xffff, v19  }
0x88: {  	s29 =	sadd.s32 s28, s7;
	[tilespmem:v17+s19+$0x0] =	vst.idx.msk $0xffff, v21  }
0x89: {  	[hbm4b:s29+s3] =	stream.linear.scatter [tilespmem:s19], [sflag:$0x3], $0x2000, $0x38;
	[tilespmem:$0x9000] =	vst v63  }
.Ltmp4:
0x8a: {  	(pc) =	sbr.rel .LBB2_7-.Ltmp4, $4  }
0x8b: {  	_ = 	snop  }
0x8c: {  	_ =	swait.ge [sflag:s20], $0x2000  }
0x8d: {  	[sflag:s20] =	ssyncset.done $0x0  }
0x8e: {  	[sflag:s20] =	ssyncadd.s32 $0xFFFFE000  }
.LBB2_6:
.Ltmp5:
0x8f: {  	s29 =	sadd.s32 s26, s8;
	(pc) =	sbr.rel @p2 .LBB2_8-.Ltmp5, $4  }
0x90: {  	[tilespmem:s3], [sflag:$0x1] =	stream.strided.gather [hbm4b:s29+s14], $0x2000, s16, s14, $0x38;
	[tilespmem:$0x9000] =	vst v63  }
0x91: {  	_ =	swait.ge [sflag:s20], $0x2000  }
0x92: {  	[sflag:s20] =	ssyncset.done $0x0  }
0x93: {  	[sflag:s20] =	ssyncadd.s32 $0xFFFFE000  }
.LBB2_7:
0x94: {  	_ =	swait.ge [sflag:s21], $0x2000  }
0x95: {  	[sflag:s21] =	ssyncset.done $0x0  }
0x96: {  	[sflag:s21] =	ssyncadd.s32 $0xFFFFE000  }
.LBB2_8:
0x97: {  	s29 =	simm.s32 $0x0  }
0x98: {  	v16 =	vadd.s32 s29, v0  }
0x99: {  	v16 =	vand.u32 $0x3F, v16  }
0x9a: {  	v17 =	vshll.u32 v16, $0x7  }
0x9b: {  	v18 =	vor.u32 v1, v17  }
0x9c: {  	v19 =	vor.u32 v2, v17  }
0x9d: {  	v20 =	vor.u32 v0, v17  }
0x9e: {  	v21 =	vor.u32 v7, v17  }
0x9f: {  	v22 =	vor.u32 v5, v17  }
0xa0: {  	v23 =	vor.u32 v4, v17;
	v18 =	vld.idx.msk [tilespmem:v18+s17+$0x0], $0xffff  }
0xa1: {  	v24 =	vor.u32 v8, v17;
	v19 =	vld.idx.msk [tilespmem:v19+s17+$0x0], $0xffff  }
0xa2: {  	v25 =	vor.u32 v3, v16;
	v17 =	vor.u32 v6, v17;
	v20 =	vld.idx.msk [tilespmem:v20+s17+$0x0], $0xffff  }
0xa3: {  	v26 =	vor.u32 v9, v16;
	v21 =	vld.idx.msk [tilespmem:v21+s17+$0x0], $0xffff  }
0xa4: {  	v27 =	vor.u32 v10, v16;
	v22 =	vld.idx.msk [tilespmem:v22+s17+$0x0], $0xffff  }
0xa5: {  	v28 =	vor.u32 v11, v16;
	v23 =	vld.idx.msk [tilespmem:v23+s17+$0x0], $0xffff  }
0xa6: {  	s29 =	simm.s32 $0x1;
	v30 =	vor.u32 v12, v16;
	v24 =	vld.idx.msk [tilespmem:v24+s17+$0x0], $0xffff  }
0xa7: {  	v29 =	vld.idx.msk [tilespmem:v17+s17+$0x0], $0xffff;
	v17 =	vadd.s32 s29, v0;
	[tilespmem:v25+s22+$0x0] =	vst.idx.msk $0xffff, v20;
	v20 =	vor.u32 v13, v16  }
0xa8: {  	v17 =	vand.u32 $0x3F, v17;
	[tilespmem:v26+s22+$0x0] =	vst.idx.msk $0xffff, v18;
	v18 =	vor.u32 v14, v16  }
0xa9: {  	v16 =	vor.u32 v15, v16;
	v26 =	vshll.u32 v17, $0x7;
	[tilespmem:v27+s22+$0x0] =	vst.idx.msk $0xffff, v19  }
0xaa: {  	v19 =	vor.u32 v1, v26;
	[tilespmem:v28+s22+$0x0] =	vst.idx.msk $0xffff, v23  }
0xab: {  	v23 =	vor.u32 v0, v26;
	[tilespmem:v30+s22+$0x0] =	vst.idx.msk $0xffff, v22  }
0xac: {  	v31 =	vor.u32 v6, v26;
	[tilespmem:v20+s22+$0x0] =	vst.idx.msk $0xffff, v29  }
0xad: {  	v22 =	vor.u32 v7, v26;
	[tilespmem:v18+s22+$0x0] =	vst.idx.msk $0xffff, v21  }
0xae: {  	v21 =	vor.u32 v2, v26;
	[tilespmem:v16+s22+$0x0] =	vst.idx.msk $0xffff, v24  }
0xaf: {  	v16 =	vor.u32 v4, v26;
	v20 =	vld.idx.msk [tilespmem:v19+s17+$0x0], $0xffff  }
0xb0: {  	v24 =	vor.u32 v5, v26;
	v25 =	vld.idx.msk [tilespmem:v23+s17+$0x0], $0xffff  }
0xb1: {  	v32 =	vor.u32 v8, v26;
	v26 =	vld.idx.msk [tilespmem:v31+s17+$0x0], $0xffff  }
0xb2: {  	s29 =	simm.s32 $0x2;
	v28 =	vor.u32 v3, v17;
	v19 =	vld.idx.msk [tilespmem:v22+s17+$0x0], $0xffff  }
0xb3: {  	v29 =	vor.u32 v9, v17;
	v22 =	vld.idx.msk [tilespmem:v21+s17+$0x0], $0xffff;
	v21 =	vadd.s32 s29, v0  }
0xb4: {  	v27 =	vor.u32 v10, v17;
	v30 =	vor.u32 v11, v17;
	v23 =	vld.idx.msk [tilespmem:v16+s17+$0x0], $0xffff;
	v16 =	vand.u32 $0x3F, v21  }
0xb5: {  	s30 =	simm.s32 $0x4;
	v18 =	vor.u32 v13, v17;
	v31 =	vor.u32 v12, v17;
	v24 =	vld.idx.msk [tilespmem:v24+s17+$0x0], $0xffff;
	v21 =	vshll.u32 v16, $0x7  }
.LBB2_9:
0xb6: {  	p2 =	slt.u32 s30, $0x3E;
	v33 =	vor.u32 v0, v21;
	v32 =	vld.idx.msk [tilespmem:v32+s17+$0x0], $0xffff;
	s31 =	smov.u32 s30;
	s30 =	sadd.s32 $0x2, s30  }
0xb7: {  	v34 =	vor.u32 v1, v21;
	[tilespmem:v28+s22+$0x0] =	vst.idx.msk $0xffff, v25;
	v25 =	vor.u32 v14, v17  }
0xb8: {  	v28 =	vor.u32 v2, v21;
	v17 =	vor.u32 v15, v17;
	[tilespmem:v29+s22+$0x0] =	vst.idx.msk $0xffff, v20  }
0xb9: {  	v20 =	vor.u32 v4, v21;
	[tilespmem:v27+s22+$0x0] =	vst.idx.msk $0xffff, v22  }
0xba: {  	v22 =	vor.u32 v5, v21;
	v27 =	vor.u32 v8, v21;
	[tilespmem:v30+s22+$0x0] =	vst.idx.msk $0xffff, v23  }
0xbb: {  	v23 =	vor.u32 v6, v21;
	v21 =	vor.u32 v7, v21;
	[tilespmem:v31+s22+$0x0] =	vst.idx.msk $0xffff, v24  }
0xbc: {  	[tilespmem:v18+s22+$0x0] =	vst.idx.msk $0xffff, v26  }
0xbd: {  	[tilespmem:v25+s22+$0x0] =	vst.idx.msk $0xffff, v19  }
0xbe: {  	[tilespmem:v17+s22+$0x0] =	vst.idx.msk $0xffff, v32  }
0xbf: {  	v17 =	vld.idx.msk [tilespmem:v34+s17+$0x0], $0xffff  }
0xc0: {  	v18 =	vld.idx.msk [tilespmem:v28+s17+$0x0], $0xffff  }
0xc1: {  	v19 =	vld.idx.msk [tilespmem:v33+s17+$0x0], $0xffff  }
0xc2: {  	v24 =	vor.u32 v3, v16;
	v21 =	vld.idx.msk [tilespmem:v21+s17+$0x0], $0xffff  }
0xc3: {  	v25 =	vor.u32 v9, v16;
	v22 =	vld.idx.msk [tilespmem:v22+s17+$0x0], $0xffff  }
0xc4: {  	v26 =	vor.u32 v10, v16;
	v20 =	vld.idx.msk [tilespmem:v20+s17+$0x0], $0xffff  }
0xc5: {  	v28 =	vor.u32 v11, v16;
	v27 =	vld.idx.msk [tilespmem:v27+s17+$0x0], $0xffff  }
0xc6: {  	s0 =	sadd.s32 $0x1, s29;
	s29 =	smov.u32 s31;
	v29 =	vor.u32 v12, v16;
	v23 =	vld.idx.msk [tilespmem:v23+s17+$0x0], $0xffff  }
0xc7: {  	[tilespmem:v24+s22+$0x0] =	vst.idx.msk $0xffff, v19;
	v19 =	vor.u32 v13, v16;
	v24 =	vadd.s32 s0, v0  }
0xc8: {  	[tilespmem:v25+s22+$0x0] =	vst.idx.msk $0xffff, v17;
	v25 =	vor.u32 v14, v16;
	v17 =	vand.u32 $0x3F, v24  }
0xc9: {  	v16 =	vor.u32 v15, v16;
	[tilespmem:v26+s22+$0x0] =	vst.idx.msk $0xffff, v18;
	v24 =	vshll.u32 v17, $0x7;
	v18 =	vor.u32 v13, v17  }
0xca: {  	[tilespmem:v28+s22+$0x0] =	vst.idx.msk $0xffff, v20;
	v20 =	vor.u32 v1, v24  }
0xcb: {  	v26 =	vor.u32 v7, v24;
	[tilespmem:v29+s22+$0x0] =	vst.idx.msk $0xffff, v22;
	v22 =	vor.u32 v0, v24  }
0xcc: {  	[tilespmem:v19+s22+$0x0] =	vst.idx.msk $0xffff, v23  }
0xcd: {  	[tilespmem:v25+s22+$0x0] =	vst.idx.msk $0xffff, v21;
	v21 =	vor.u32 v2, v24  }
0xce: {  	[tilespmem:v16+s22+$0x0] =	vst.idx.msk $0xffff, v27;
	v16 =	vor.u32 v4, v24  }
0xcf: {  	v30 =	vor.u32 v5, v24;
	v20 =	vld.idx.msk [tilespmem:v20+s17+$0x0], $0xffff  }
0xd0: {  	v31 =	vor.u32 v6, v24;
	v19 =	vld.idx.msk [tilespmem:v26+s17+$0x0], $0xffff  }
.Ltmp6:
0xd1: {  	v32 =	vor.u32 v8, v24;
	v28 =	vor.u32 v3, v17;
	v25 =	vld.idx.msk [tilespmem:v22+s17+$0x0], $0xffff;
	(pc) =	sbr.rel @p2 .LBB2_9-.Ltmp6, $4  }
0xd2: {  	v29 =	vor.u32 v9, v17;
	v22 =	vld.idx.msk [tilespmem:v21+s17+$0x0], $0xffff  }
0xd3: {  	v27 =	vor.u32 v10, v17;
	v21 =	vadd.s32 s29, v0;
	v23 =	vld.idx.msk [tilespmem:v16+s17+$0x0], $0xffff  }
0xd4: {  	v16 =	vand.u32 $0x3F, v21;
	v24 =	vld.idx.msk [tilespmem:v30+s17+$0x0], $0xffff;
	v30 =	vor.u32 v11, v17  }
0xd5: {  	v21 =	vshll.u32 v16, $0x7;
	v26 =	vld.idx.msk [tilespmem:v31+s17+$0x0], $0xffff;
	v31 =	vor.u32 v12, v17  }
0xd6: {  	_ =	sdelay $0x3  }
0xd7: {  	v32 =	vld.idx.msk [tilespmem:v32+s17+$0x0], $0xffff;
	[tilespmem:v28+s22+$0x0] =	vst.idx.msk $0xffff, v25  }
0xd8: {  	v35 =	vor.u32 v14, v17;
	[tilespmem:v29+s22+$0x0] =	vst.idx.msk $0xffff, v20  }
0xd9: {  	v17 =	vor.u32 v15, v17;
	[tilespmem:v27+s22+$0x0] =	vst.idx.msk $0xffff, v22  }
0xda: {  	v36 =	vor.u32 v1, v21;
	[tilespmem:v30+s22+$0x0] =	vst.idx.msk $0xffff, v23  }
0xdb: {  	v37 =	vor.u32 v2, v21;
	[tilespmem:v31+s22+$0x0] =	vst.idx.msk $0xffff, v24  }
0xdc: {  	v38 =	vor.u32 v0, v21;
	[tilespmem:v18+s22+$0x0] =	vst.idx.msk $0xffff, v26  }
0xdd: {  	v39 =	vor.u32 v7, v21;
	[tilespmem:v35+s22+$0x0] =	vst.idx.msk $0xffff, v19  }
0xde: {  	v40 =	vor.u32 v5, v21;
	[tilespmem:v17+s22+$0x0] =	vst.idx.msk $0xffff, v32  }
0xdf: {  	v17 =	vor.u32 v4, v21;
	v20 =	vld.idx.msk [tilespmem:v36+s17+$0x0], $0xffff  }
0xe0: {  	v41 =	vor.u32 v8, v21;
	v22 =	vld.idx.msk [tilespmem:v37+s17+$0x0], $0xffff  }
0xe1: {  	v42 =	vor.u32 v6, v21;
	v43 =	vor.u32 v3, v16;
	v23 =	vld.idx.msk [tilespmem:v38+s17+$0x0], $0xffff  }
0xe2: {  	v44 =	vor.u32 v9, v16;
	v18 =	vld.idx.msk [tilespmem:v39+s17+$0x0], $0xffff  }
0xe3: {  	v45 =	vor.u32 v10, v16;
	v19 =	vld.idx.msk [tilespmem:v40+s17+$0x0], $0xffff  }
0xe4: {  	v46 =	vor.u32 v11, v16;
	v17 =	vld.idx.msk [tilespmem:v17+s17+$0x0], $0xffff  }
0xe5: {  	v47 =	vor.u32 v12, v16;
	s0 =	sadd.s32 $0x1, s29;
	v24 =	vld.idx.msk [tilespmem:v41+s17+$0x0], $0xffff  }
0xe6: {  	v48 =	vor.u32 v13, v16;
	v49 =	vadd.s32 s0, v0;
	v21 =	vld.idx.msk [tilespmem:v42+s17+$0x0], $0xffff;
	[tilespmem:v43+s22+$0x0] =	vst.idx.msk $0xffff, v23  }
0xe7: {  	v50 =	vor.u32 v14, v16;
	v25 =	vand.u32 $0x3F, v49;
	[tilespmem:v44+s22+$0x0] =	vst.idx.msk $0xffff, v20  }
0xe8: {  	v16 =	vor.u32 v15, v16;
	v51 =	vshll.u32 v25, $0x7;
	[tilespmem:v45+s22+$0x0] =	vst.idx.msk $0xffff, v22  }
0xe9: {  	[tilespmem:v46+s22+$0x0] =	vst.idx.msk $0xffff, v17;
	v17 =	vor.u32 v1, v51  }
0xea: {  	v52 =	vor.u32 v7, v51;
	[tilespmem:v47+s22+$0x0] =	vst.idx.msk $0xffff, v19  }
0xeb: {  	v53 =	vor.u32 v0, v51;
	[tilespmem:v48+s22+$0x0] =	vst.idx.msk $0xffff, v21  }
0xec: {  	v54 =	vor.u32 v2, v51;
	[tilespmem:v50+s22+$0x0] =	vst.idx.msk $0xffff, v18  }
0xed: {  	v55 =	vor.u32 v5, v51;
	[tilespmem:v16+s22+$0x0] =	vst.idx.msk $0xffff, v24  }
0xee: {  	v16 =	vor.u32 v4, v51;
	v17 =	vld.idx.msk [tilespmem:v17+s17+$0x0], $0xffff  }
0xef: {  	v56 =	vor.u32 v6, v51;
	v19 =	vld.idx.msk [tilespmem:v52+s17+$0x0], $0xffff  }
0xf0: {  	v57 =	vor.u32 v3, v25;
	v22 =	vor.u32 v8, v51;
	v23 =	vld.idx.msk [tilespmem:v53+s17+$0x0], $0xffff  }
0xf1: {  	v58 =	vor.u32 v9, v25;
	v18 =	vld.idx.msk [tilespmem:v54+s17+$0x0], $0xffff  }
0xf2: {  	v59 =	vor.u32 v10, v25;
	v20 =	vld.idx.msk [tilespmem:v55+s17+$0x0], $0xffff  }
0xf3: {  	v60 =	vor.u32 v11, v25;
	v16 =	vld.idx.msk [tilespmem:v16+s17+$0x0], $0xffff  }
0xf4: {  	v61 =	vor.u32 v12, v25;
	v21 =	vld.idx.msk [tilespmem:v56+s17+$0x0], $0xffff  }
0xf5: {  	v62 =	vor.u32 v13, v25;
	v22 =	vld.idx.msk [tilespmem:v22+s17+$0x0], $0xffff;
	[tilespmem:v57+s22+$0x0] =	vst.idx.msk $0xffff, v23  }
0xf6: {  	v63 =	vor.u32 v14, v25;
	[tilespmem:v58+s22+$0x0] =	vst.idx.msk $0xffff, v17  }
0xf7: {  	v17 =	vor.u32 v15, v25;
	[tilespmem:v59+s22+$0x0] =	vst.idx.msk $0xffff, v18  }
0xf8: {  	p2 =	seq.s32 s25, $0x79;
	[tilespmem:v60+s22+$0x0] =	vst.idx.msk $0xffff, v16  }
.Ltmp7:
0xf9: {  	[tilespmem:v61+s22+$0x0] =	vst.idx.msk $0xffff, v20;
	(pc) =	sbr.rel @p2 .LBB2_12-.Ltmp7, $4  }
0xfa: {  	[tilespmem:v62+s22+$0x0] =	vst.idx.msk $0xffff, v21  }
0xfb: {  	s31 =	sor.u32 s13, s28;
	[tilespmem:v63+s22+$0x0] =	vst.idx.msk $0xffff, v19  }
0xfc: {  	s0 =	sadd.s32 s4, s31;
	[tilespmem:v17+s22+$0x0] =	vst.idx.msk $0xffff, v22  }
0xfd: {  	[hbm4b:s0+s3] =	stream.linear.scatter [tilespmem:s22], [sflag:$0x4], $0x2000, $0x38;
	[tilespmem:$0x9000] =	vst v63  }
.Ltmp8:
0xfe: {  	(pc) =	sbr.rel .LBB2_2-.Ltmp8, $3  }
0xff: {  	_ =	sdelay $0x1  }
0x100: {  	s0 =	sadd.s32 s26, s9;
	s25 =	sadd.s32 $0x1, s25  }
0x101: {  	[tilespmem:s17], [sflag:$0x2] =	stream.strided.gather [hbm4b:s0+s14], $0x2000, s16, s14, $0x38;
	[tilespmem:$0x9000] =	vst v63  }
.LBB2_12:
.Ltmp9:
0x102: {  	(pc) =	sbr.rel @p0 .LBB2_16-.Ltmp9, $1  }
0x103: {  	_ =	sdelay $0x3  }
0x104: {  	s0 =	simm.s32 $0x0  }
0x105: {  	v16 =	vadd.s32 s0, v0  }
0x106: {  	[tilespmem:s0], [sflag:$0x1] =	stream.strided.gather [hbm4b:s10+s14], $0x2000, s16, s14, $0x38;
	v16 =	vand.u32 $0x3F, v16;
	[tilespmem:$0x9000] =	vst v63  }
0x107: {  	_ =	swait.ge [sflag:s18], $0x2000;
	v17 =	vshll.u32 v16, $0x7  }
0x108: {  	[sflag:s18] =	ssyncset.done $0x0;
	v18 =	vor.u32 v1, v17  }
0x109: {  	[sflag:s18] =	ssyncadd.s32 $0xFFFFE000;
	v19 =	vor.u32 v2, v17  }
0x10a: {  	v20 =	vor.u32 v0, v17;
	_ =	swait.ge [sflag:s23], $0x2000  }
0x10b: {  	v21 =	vor.u32 v7, v17;
	[sflag:s23] =	ssyncset.done $0x0  }
0x10c: {  	v22 =	vor.u32 v5, v17;
	[sflag:s23] =	ssyncadd.s32 $0xFFFFE000  }
0x10d: {  	v23 =	vor.u32 v4, v17;
	v18 =	vld.idx.msk [tilespmem:v18+s3+$0x0], $0xffff  }
0x10e: {  	v24 =	vor.u32 v8, v17;
	v19 =	vld.idx.msk [tilespmem:v19+s3+$0x0], $0xffff  }
0x10f: {  	v25 =	vor.u32 v3, v16;
	v17 =	vor.u32 v6, v17;
	v20 =	vld.idx.msk [tilespmem:v20+s3+$0x0], $0xffff  }
0x110: {  	v26 =	vor.u32 v9, v16;
	v21 =	vld.idx.msk [tilespmem:v21+s3+$0x0], $0xffff  }
0x111: {  	v27 =	vor.u32 v10, v16;
	v22 =	vld.idx.msk [tilespmem:v22+s3+$0x0], $0xffff  }
0x112: {  	v28 =	vor.u32 v11, v16;
	v23 =	vld.idx.msk [tilespmem:v23+s3+$0x0], $0xffff  }
0x113: {  	s31 =	simm.s32 $0x1;
	v30 =	vor.u32 v12, v16;
	v24 =	vld.idx.msk [tilespmem:v24+s3+$0x0], $0xffff  }
0x114: {  	v29 =	vld.idx.msk [tilespmem:v17+s3+$0x0], $0xffff;
	v17 =	vadd.s32 s31, v0;
	[tilespmem:v25+s19+$0x0] =	vst.idx.msk $0xffff, v20;
	v20 =	vor.u32 v13, v16  }
0x115: {  	v17 =	vand.u32 $0x3F, v17;
	[tilespmem:v26+s19+$0x0] =	vst.idx.msk $0xffff, v18;
	v18 =	vor.u32 v14, v16  }
0x116: {  	v16 =	vor.u32 v15, v16;
	v26 =	vshll.u32 v17, $0x7;
	[tilespmem:v27+s19+$0x0] =	vst.idx.msk $0xffff, v19  }
0x117: {  	v19 =	vor.u32 v1, v26;
	[tilespmem:v28+s19+$0x0] =	vst.idx.msk $0xffff, v23  }
0x118: {  	v23 =	vor.u32 v0, v26;
	[tilespmem:v30+s19+$0x0] =	vst.idx.msk $0xffff, v22  }
0x119: {  	v31 =	vor.u32 v6, v26;
	[tilespmem:v20+s19+$0x0] =	vst.idx.msk $0xffff, v29  }
0x11a: {  	v22 =	vor.u32 v7, v26;
	[tilespmem:v18+s19+$0x0] =	vst.idx.msk $0xffff, v21  }
0x11b: {  	v21 =	vor.u32 v2, v26;
	[tilespmem:v16+s19+$0x0] =	vst.idx.msk $0xffff, v24  }
0x11c: {  	v16 =	vor.u32 v4, v26;
	v20 =	vld.idx.msk [tilespmem:v19+s3+$0x0], $0xffff  }
0x11d: {  	v24 =	vor.u32 v5, v26;
	v25 =	vld.idx.msk [tilespmem:v23+s3+$0x0], $0xffff  }
0x11e: {  	v32 =	vor.u32 v8, v26;
	v26 =	vld.idx.msk [tilespmem:v31+s3+$0x0], $0xffff  }
0x11f: {  	s25 =	simm.s32 $0x2;
	v28 =	vor.u32 v3, v17;
	v19 =	vld.idx.msk [tilespmem:v22+s3+$0x0], $0xffff  }
0x120: {  	v29 =	vor.u32 v9, v17;
	v22 =	vld.idx.msk [tilespmem:v21+s3+$0x0], $0xffff;
	v21 =	vadd.s32 s25, v0  }
0x121: {  	v27 =	vor.u32 v10, v17;
	v30 =	vor.u32 v11, v17;
	v23 =	vld.idx.msk [tilespmem:v16+s3+$0x0], $0xffff;
	v16 =	vand.u32 $0x3F, v21  }
0x122: {  	s26 =	simm.s32 $0x4;
	v18 =	vor.u32 v13, v17;
	v31 =	vor.u32 v12, v17;
	v24 =	vld.idx.msk [tilespmem:v24+s3+$0x0], $0xffff;
	v21 =	vshll.u32 v16, $0x7  }
.LBB2_14:
0x123: {  	p2 =	slt.u32 s26, $0x3E;
	v33 =	vor.u32 v0, v21;
	v32 =	vld.idx.msk [tilespmem:v32+s3+$0x0], $0xffff;
	s0 =	smov.u32 s26;
	s26 =	sadd.s32 $0x2, s26  }
0x124: {  	v34 =	vor.u32 v1, v21;
	[tilespmem:v28+s19+$0x0] =	vst.idx.msk $0xffff, v25;
	v25 =	vor.u32 v14, v17  }
0x125: {  	v28 =	vor.u32 v2, v21;
	v17 =	vor.u32 v15, v17;
	[tilespmem:v29+s19+$0x0] =	vst.idx.msk $0xffff, v20  }
0x126: {  	v20 =	vor.u32 v4, v21;
	[tilespmem:v27+s19+$0x0] =	vst.idx.msk $0xffff, v22  }
0x127: {  	v22 =	vor.u32 v5, v21;
	v27 =	vor.u32 v8, v21;
	[tilespmem:v30+s19+$0x0] =	vst.idx.msk $0xffff, v23  }
0x128: {  	v23 =	vor.u32 v6, v21;
	v21 =	vor.u32 v7, v21;
	[tilespmem:v31+s19+$0x0] =	vst.idx.msk $0xffff, v24  }
0x129: {  	[tilespmem:v18+s19+$0x0] =	vst.idx.msk $0xffff, v26  }
0x12a: {  	[tilespmem:v25+s19+$0x0] =	vst.idx.msk $0xffff, v19  }
0x12b: {  	[tilespmem:v17+s19+$0x0] =	vst.idx.msk $0xffff, v32  }
0x12c: {  	v17 =	vld.idx.msk [tilespmem:v34+s3+$0x0], $0xffff  }
0x12d: {  	v18 =	vld.idx.msk [tilespmem:v28+s3+$0x0], $0xffff  }
0x12e: {  	v19 =	vld.idx.msk [tilespmem:v33+s3+$0x0], $0xffff  }
0x12f: {  	v24 =	vor.u32 v3, v16;
	v21 =	vld.idx.msk [tilespmem:v21+s3+$0x0], $0xffff  }
0x130: {  	v25 =	vor.u32 v9, v16;
	v22 =	vld.idx.msk [tilespmem:v22+s3+$0x0], $0xffff  }
0x131: {  	v26 =	vor.u32 v10, v16;
	v20 =	vld.idx.msk [tilespmem:v20+s3+$0x0], $0xffff  }
0x132: {  	v28 =	vor.u32 v11, v16;
	v27 =	vld.idx.msk [tilespmem:v27+s3+$0x0], $0xffff  }
0x133: {  	s28 =	sadd.s32 $0x1, s25;
	s25 =	smov.u32 s0;
	v29 =	vor.u32 v12, v16;
	v23 =	vld.idx.msk [tilespmem:v23+s3+$0x0], $0xffff  }
0x134: {  	[tilespmem:v24+s19+$0x0] =	vst.idx.msk $0xffff, v19;
	v19 =	vor.u32 v13, v16;
	v24 =	vadd.s32 s28, v0  }
0x135: {  	[tilespmem:v25+s19+$0x0] =	vst.idx.msk $0xffff, v17;
	v25 =	vor.u32 v14, v16;
	v17 =	vand.u32 $0x3F, v24  }
0x136: {  	v16 =	vor.u32 v15, v16;
	[tilespmem:v26+s19+$0x0] =	vst.idx.msk $0xffff, v18;
	v24 =	vshll.u32 v17, $0x7;
	v18 =	vor.u32 v13, v17  }
0x137: {  	[tilespmem:v28+s19+$0x0] =	vst.idx.msk $0xffff, v20;
	v20 =	vor.u32 v1, v24  }
0x138: {  	v26 =	vor.u32 v7, v24;
	[tilespmem:v29+s19+$0x0] =	vst.idx.msk $0xffff, v22;
	v22 =	vor.u32 v0, v24  }
0x139: {  	[tilespmem:v19+s19+$0x0] =	vst.idx.msk $0xffff, v23  }
0x13a: {  	[tilespmem:v25+s19+$0x0] =	vst.idx.msk $0xffff, v21;
	v21 =	vor.u32 v2, v24  }
0x13b: {  	[tilespmem:v16+s19+$0x0] =	vst.idx.msk $0xffff, v27;
	v16 =	vor.u32 v4, v24  }
0x13c: {  	v30 =	vor.u32 v5, v24;
	v20 =	vld.idx.msk [tilespmem:v20+s3+$0x0], $0xffff  }
0x13d: {  	v31 =	vor.u32 v6, v24;
	v19 =	vld.idx.msk [tilespmem:v26+s3+$0x0], $0xffff  }
.Ltmp10:
0x13e: {  	v32 =	vor.u32 v8, v24;
	v28 =	vor.u32 v3, v17;
	v25 =	vld.idx.msk [tilespmem:v22+s3+$0x0], $0xffff;
	(pc) =	sbr.rel @p2 .LBB2_14-.Ltmp10, $4  }
0x13f: {  	v29 =	vor.u32 v9, v17;
	v22 =	vld.idx.msk [tilespmem:v21+s3+$0x0], $0xffff  }
0x140: {  	v27 =	vor.u32 v10, v17;
	v21 =	vadd.s32 s25, v0;
	v23 =	vld.idx.msk [tilespmem:v16+s3+$0x0], $0xffff  }
0x141: {  	v16 =	vand.u32 $0x3F, v21;
	v24 =	vld.idx.msk [tilespmem:v30+s3+$0x0], $0xffff;
	v30 =	vor.u32 v11, v17  }
0x142: {  	v21 =	vshll.u32 v16, $0x7;
	v26 =	vld.idx.msk [tilespmem:v31+s3+$0x0], $0xffff;
	v31 =	vor.u32 v12, v17  }
0x143: {  	_ =	sdelay $0x3  }
0x144: {  	v32 =	vld.idx.msk [tilespmem:v32+s3+$0x0], $0xffff;
	[tilespmem:v28+s19+$0x0] =	vst.idx.msk $0xffff, v25  }
0x145: {  	v35 =	vor.u32 v14, v17;
	[tilespmem:v29+s19+$0x0] =	vst.idx.msk $0xffff, v20  }
0x146: {  	v17 =	vor.u32 v15, v17;
	[tilespmem:v27+s19+$0x0] =	vst.idx.msk $0xffff, v22  }
0x147: {  	v36 =	vor.u32 v1, v21;
	[tilespmem:v30+s19+$0x0] =	vst.idx.msk $0xffff, v23  }
0x148: {  	v37 =	vor.u32 v2, v21;
	[tilespmem:v31+s19+$0x0] =	vst.idx.msk $0xffff, v24  }
0x149: {  	v38 =	vor.u32 v0, v21;
	[tilespmem:v18+s19+$0x0] =	vst.idx.msk $0xffff, v26  }
0x14a: {  	v39 =	vor.u32 v7, v21;
	[tilespmem:v35+s19+$0x0] =	vst.idx.msk $0xffff, v19  }
0x14b: {  	v40 =	vor.u32 v5, v21;
	[tilespmem:v17+s19+$0x0] =	vst.idx.msk $0xffff, v32  }
0x14c: {  	v17 =	vor.u32 v4, v21;
	v20 =	vld.idx.msk [tilespmem:v36+s3+$0x0], $0xffff  }
0x14d: {  	v41 =	vor.u32 v8, v21;
	v22 =	vld.idx.msk [tilespmem:v37+s3+$0x0], $0xffff  }
0x14e: {  	v42 =	vor.u32 v6, v21;
	v43 =	vor.u32 v3, v16;
	v23 =	vld.idx.msk [tilespmem:v38+s3+$0x0], $0xffff  }
0x14f: {  	v44 =	vor.u32 v9, v16;
	v18 =	vld.idx.msk [tilespmem:v39+s3+$0x0], $0xffff  }
0x150: {  	v45 =	vor.u32 v10, v16;
	v19 =	vld.idx.msk [tilespmem:v40+s3+$0x0], $0xffff  }
0x151: {  	v46 =	vor.u32 v11, v16;
	v17 =	vld.idx.msk [tilespmem:v17+s3+$0x0], $0xffff  }
0x152: {  	v47 =	vor.u32 v12, v16;
	s0 =	sadd.s32 $0x1, s25;
	v24 =	vld.idx.msk [tilespmem:v41+s3+$0x0], $0xffff  }
0x153: {  	v48 =	vor.u32 v13, v16;
	v49 =	vadd.s32 s0, v0;
	v21 =	vld.idx.msk [tilespmem:v42+s3+$0x0], $0xffff;
	[tilespmem:v43+s19+$0x0] =	vst.idx.msk $0xffff, v23  }
0x154: {  	v50 =	vor.u32 v14, v16;
	v25 =	vand.u32 $0x3F, v49;
	[tilespmem:v44+s19+$0x0] =	vst.idx.msk $0xffff, v20  }
0x155: {  	v16 =	vor.u32 v15, v16;
	v51 =	vshll.u32 v25, $0x7;
	[tilespmem:v45+s19+$0x0] =	vst.idx.msk $0xffff, v22  }
0x156: {  	[tilespmem:v46+s19+$0x0] =	vst.idx.msk $0xffff, v17;
	v17 =	vor.u32 v1, v51  }
0x157: {  	v52 =	vor.u32 v7, v51;
	[tilespmem:v47+s19+$0x0] =	vst.idx.msk $0xffff, v19  }
0x158: {  	v53 =	vor.u32 v0, v51;
	[tilespmem:v48+s19+$0x0] =	vst.idx.msk $0xffff, v21  }
0x159: {  	v54 =	vor.u32 v2, v51;
	[tilespmem:v50+s19+$0x0] =	vst.idx.msk $0xffff, v18  }
0x15a: {  	v55 =	vor.u32 v5, v51;
	[tilespmem:v16+s19+$0x0] =	vst.idx.msk $0xffff, v24  }
0x15b: {  	v16 =	vor.u32 v4, v51;
	v17 =	vld.idx.msk [tilespmem:v17+s3+$0x0], $0xffff  }
0x15c: {  	v56 =	vor.u32 v6, v51;
	v19 =	vld.idx.msk [tilespmem:v52+s3+$0x0], $0xffff  }
0x15d: {  	v57 =	vor.u32 v3, v25;
	v22 =	vor.u32 v8, v51;
	v23 =	vld.idx.msk [tilespmem:v53+s3+$0x0], $0xffff  }
0x15e: {  	v58 =	vor.u32 v9, v25;
	v18 =	vld.idx.msk [tilespmem:v54+s3+$0x0], $0xffff  }
0x15f: {  	v59 =	vor.u32 v10, v25;
	v20 =	vld.idx.msk [tilespmem:v55+s3+$0x0], $0xffff  }
0x160: {  	v60 =	vor.u32 v11, v25;
	v16 =	vld.idx.msk [tilespmem:v16+s3+$0x0], $0xffff  }
0x161: {  	v61 =	vor.u32 v12, v25;
	v21 =	vld.idx.msk [tilespmem:v56+s3+$0x0], $0xffff  }
0x162: {  	v62 =	vor.u32 v13, v25;
	v22 =	vld.idx.msk [tilespmem:v22+s3+$0x0], $0xffff;
	[tilespmem:v57+s19+$0x0] =	vst.idx.msk $0xffff, v23  }
0x163: {  	v63 =	vor.u32 v14, v25;
	[tilespmem:v58+s19+$0x0] =	vst.idx.msk $0xffff, v17  }
0x164: {  	v17 =	vor.u32 v15, v25;
	[tilespmem:v59+s19+$0x0] =	vst.idx.msk $0xffff, v18  }
0x165: {  	[tilespmem:v60+s19+$0x0] =	vst.idx.msk $0xffff, v16  }
.Ltmp11:
0x166: {  	[tilespmem:v61+s19+$0x0] =	vst.idx.msk $0xffff, v20;
	(pc) =	sbr.rel .LBB2_16-.Ltmp11, $4  }
0x167: {  	[tilespmem:v62+s19+$0x0] =	vst.idx.msk $0xffff, v21  }
0x168: {  	[tilespmem:v63+s19+$0x0] =	vst.idx.msk $0xffff, v19  }
0x169: {  	[tilespmem:v17+s19+$0x0] =	vst.idx.msk $0xffff, v22  }
0x16a: {  	[hbm4b:s12+s3] =	stream.linear.scatter [tilespmem:s19], [sflag:$0x3], $0x2000, $0x38;
	[tilespmem:$0x9000] =	vst v63  }
.LBB2_17:
0x16b: {  	_ =	sfence.sel $0x180000  }
0x16c: {  	[bflag:$0x0] =	sbarrier.arrive $0xFFFF  }
0x16d: {  	_ =	strace $0x90000047  }
0x16e: {  	[bflag:$0x2] =	sbarrier.arrive $0xFFFF  }
0x16f: {  	p0 =	sne.s32 s2, $0x0;
	s0 =	rddreg [dreg:$0x3]  }
0x170: {  	s0 =	sadd.s32 @!p0 $0x100000, s0  }
0x171: {  	[sflag:s0] =	ssyncadd.tile.s32 @!p0 $0x1;
	_ =	shalt  }
.Lfunc_end2:
_tile_overlayer_lowered:
.L_overlay_start_2:
0x172: {  	(tag) =	ssettag $0x2  }
0x173: {  	s0 =	rddreg [dreg:$0x0];
	s2 =	stileid.u32  }
0x174: {  	s1 =	rddreg [dreg:$0x1];
	p0 =	sne.s32 s2, $0x0  }
0x175: {  	s3 =	rddreg [dreg:$0x2];
	[bflag:$0x3] =	sbarrier.arrive $0xFFFF;
	s2 =	simm.s32 @!p0 $0x1C05  }
0x176: {  	[timem:s3], [sflag:s2] =	dma.local @!p0 [hbm:s0], s1  }
0x177: {  	s0 =	simm.s32 @!p0 $0x5  }
0x178: {  	_ =	swait.ge @!p0 [sflag:s0], s1  }
0x179: {  	s1 =	ssub.s32 @!p0 $0x0, s1;
	[sflag:s0] =	ssyncset.done @!p0 $0x0  }
0x17a: {  	[sflag:s0] =	ssyncadd.s32 @!p0 s1  }
0x17b: {  	[bflag:$0x3] =	sbarrier.arrive $0xFFFF  }
0x17c: {  	_ =	shalt  }

// kernel: kernel.7.cloned.1.call-start
scs
__scs_entry_jumppad:
0x0: {  	(pc) =	sbr.rel $0x88, $3  }
0x1: {  	(tag) =	ssettag $0x0;
	lr =	simm.s32 $0x1  }
0x2: {  	[smem:$0x3F9F] =	sst lr;
	_ =	strace $0xD0000000  }
0x3: {  	_ = 	snop  }
0x4: {  	_ = 	snop  }
0x5: {  	_ = 	snop  }
0x6: {  	_ = 	snop  }
0x7: {  	_ = 	snop  }
__scs_overlays_trampoline_lowered:
0x8: {  	[smem:$0x3FAE] =	sst s0  }
0x9: {  	[smem:$0x3FAF] =	sst s1  }
0xa: {  	[smem:$0x3FB0] =	sst s2  }
0xb: {  	[smem:$0x3FB1] =	sst s3  }
0xc: {  	[smem:$0x3FB2] =	sst s4  }
0xd: {  	[smem:$0x3FB3] =	sst s5  }
0xe: {  	[smem:$0x3FB4] =	sst s6  }
0xf: {  	[smem:$0x3FB5] =	sst s7  }
0x10: {  	[smem:$0x3FB6] =	sst s8  }
0x11: {  	[smem:$0x3FB7] =	sst s9;
	s0 =	simm.s32 @!p0 $0x0  }
0x12: {  	s1 =	sld [smem:$0x3F9D];
	s0 =	simm.s32 @p0 $0x1  }
0x13: {  	[smem:$0x3FB8] =	sst s0;
	s0 =	simm.s32 @!p1 $0x0  }
0x14: {  	s2 =	sld [smem:$0x3F9C];
	s0 =	simm.s32 @p1 $0x1  }
0x15: {  	[smem:$0x3FB9] =	sst s0;
	s0 =	simm.s32 @!p2 $0x0  }
0x16: {  	s3 =	sld [smem:$0x3FDB];
	s0 =	simm.s32 @p2 $0x1  }
0x17: {  	s4 =	simm.s32 $0x1BF5;
	[smem:$0x3FBB] =	sst s0  }
0x18: {  	s0 =	sld [smem:$0x3F9E];
	_ =	swait.ge [sflag:s4], $0x0  }
0x19: {  	s7 =	sld [smem:$0x3F9F]  }
0x1a: {  	s8 =	sadd.s32 $0xFFFFE003, lr  }
0x1b: {  	s9 =	sadd.s32 $0xFFFFFEF7, lr;
	s5 =	simm.s32 $0xFFFFFFFF;
	p2 =	slt.u32 s8, $0xFFFFF086  }
0x1c: {  	p1 =	slt.u32 s9, $0xF7A;
	s5 =	simm.s32 @!p2 $0x0  }
0x1d: {  	s5 =	simm.s32 @p1 $0x1;
	p0 =	seq.s32 s7, s2  }
0x1e: {  	s7 =	smul.u32 @!p0 $0xF7A, s2;
	p2 =	seq.s32 @!p0 s5, $0x0  }
0x1f: {  	s9 =	smul.u32 $0xF7A, s1;
	s8 =	simm.s32 @!p0 $0x1BF5;
	p2 =	por !p2, p0  }
0x20: {  	[sflag:s8] =	ssyncset.s32 @!p0 $0xFFFFF086;
	s6 =	sadd.s32 @!p0 s3, s7;
	s7 =	simm.s32 @!p0 $0x108  }
0x21: {  	s3 =	sadd.s32 s3, s9;
	s6 =	sadd.s32 @!p0 $0x88, s6;
	s7 =	simm.s32 @p2 $0x1082  }
0x22: {  	[simem:s7], [sflag:s8] =	dma.local @!p0 [hbm:s6], $0xF7A  }
0x23: {  	s9 =	sor.u32 $0xD0000000, s2;
	s6 =	simm.s32 $0x108;
	_ =	swait.ge @!p0 [sflag:s8], $0x0  }
0x24: {  	s3 =	sadd.s32 $0x88, s3;
	s6 =	simm.s32 @!p1 $0x1082;
	[sflag:s4] =	ssyncset.s32 $0xFFFFF086  }
0x25: {  	[simem:s6], [sflag:s4] =	dma.local [hbm:s3], $0xF7A  }
0x26: {  	[smem:$0x3F9F] =	sst s1;
	(tag) =	ssettag s2;
	_ =	strace s9  }
0x27: {  	s1 =	sld [smem:$0x3FAF]  }
0x28: {  	s2 =	sld [smem:$0x3FB0]  }
0x29: {  	s4 =	sld [smem:$0x3FB2]  }
0x2a: {  	p0 =	seq.s32 s5, $0x0;
	s5 =	sld [smem:$0x3FB3]  }
0x2b: {  	s6 =	sld [smem:$0x3FB4]  }
0x2c: {  	s7 =	sld [smem:$0x3FB5]  }
0x2d: {  	s3 =	simm.s32 $0x108;
	s8 =	sld [smem:$0x3FB6]  }
0x2e: {  	s3 =	simm.s32 @!p0 $0x1082;
	s9 =	sld [smem:$0x3FB7]  }
0x2f: {  	lr =	sadd.s32 s0, s3;
	s0 =	sld [smem:$0x3FAE]  }
0x30: {  	s3 =	sld [smem:$0x3FB1]  }
0x31: {  	[smem:$0x3FBA] =	sst s10  }
0x32: {  	s10 =	sld [smem:$0x3FB8];
	_ =	sdelay $0x3  }
0x33: {  	p0 =	seq.s32 s10, $0x1;
	s10 =	sld [smem:$0x3FBA];
	_ =	sdelay $0x3  }
0x34: {  	[smem:$0x3FBA] =	sst s10  }
0x35: {  	s10 =	sld [smem:$0x3FB9];
	_ =	sdelay $0x3  }
0x36: {  	p1 =	seq.s32 s10, $0x1;
	s10 =	sld [smem:$0x3FBA];
	_ =	sdelay $0x3  }
0x37: {  	[smem:$0x3FBA] =	sst s10  }
0x38: {  	s10 =	sld [smem:$0x3FBB]  }
0x39: {  	_ = 	snop;
	(pc) =	sbr.ind lr, $3  }
0x3a: {  	_ = 	snop  }
0x3b: {  	_ = 	snop  }
0x3c: {  	p2 =	seq.s32 s10, $0x1;
	s10 =	sld [smem:$0x3FBA]  }
0x3d: {  	_ =	shalt  }
0x3e: {  	_ =	shalt  }
0x3f: {  	_ =	shalt  }
0x40: {  	_ =	shalt  }
0x41: {  	_ =	shalt  }
0x42: {  	_ =	shalt  }
0x43: {  	_ =	shalt  }
0x44: {  	_ =	shalt  }
0x45: {  	_ =	shalt  }
0x46: {  	_ =	shalt  }
0x47: {  	_ =	shalt  }
0x48: {  	_ =	shalt  }
0x49: {  	_ =	shalt  }
0x4a: {  	_ =	shalt  }
0x4b: {  	_ =	shalt  }
0x4c: {  	_ =	shalt  }
0x4d: {  	_ =	shalt  }
0x4e: {  	_ =	shalt  }
0x4f: {  	_ =	shalt  }
0x50: {  	_ =	shalt  }
0x51: {  	_ =	shalt  }
0x52: {  	_ =	shalt  }
0x53: {  	_ =	shalt  }
0x54: {  	_ =	shalt  }
0x55: {  	_ =	shalt  }
0x56: {  	_ =	shalt  }
0x57: {  	_ =	shalt  }
0x58: {  	_ =	shalt  }
0x59: {  	_ =	shalt  }
0x5a: {  	_ =	shalt  }
0x5b: {  	_ =	shalt  }
0x5c: {  	_ =	shalt  }
0x5d: {  	_ =	shalt  }
0x5e: {  	_ =	shalt  }
0x5f: {  	_ =	shalt  }
0x60: {  	_ =	shalt  }
0x61: {  	_ =	shalt  }
0x62: {  	_ =	shalt  }
0x63: {  	_ =	shalt  }
0x64: {  	_ =	shalt  }
0x65: {  	_ =	shalt  }
0x66: {  	_ =	shalt  }
0x67: {  	_ =	shalt  }
0x68: {  	_ =	shalt  }
0x69: {  	_ =	shalt  }
0x6a: {  	_ =	shalt  }
0x6b: {  	_ =	shalt  }
0x6c: {  	_ =	shalt  }
0x6d: {  	_ =	shalt  }
0x6e: {  	_ =	shalt  }
0x6f: {  	_ =	shalt  }
0x70: {  	_ =	shalt  }
0x71: {  	_ =	shalt  }
0x72: {  	_ =	shalt  }
0x73: {  	_ =	shalt  }
0x74: {  	_ =	shalt  }
0x75: {  	_ =	shalt  }
0x76: {  	_ =	shalt  }
0x77: {  	_ =	shalt  }
0x78: {  	_ =	shalt  }
0x79: {  	_ =	shalt  }
0x7a: {  	_ =	shalt  }
0x7b: {  	_ =	shalt  }
0x7c: {  	_ =	shalt  }
0x7d: {  	_ =	shalt  }
0x7e: {  	_ =	shalt  }
0x7f: {  	_ =	shalt  }
0x80: {  	_ =	shalt  }
0x81: {  	_ =	shalt  }
0x82: {  	_ =	shalt  }
0x83: {  	_ =	shalt  }
0x84: {  	_ =	shalt  }
0x85: {  	_ =	shalt  }
0x86: {  	_ =	shalt  }
0x87: {  	_ =	shalt  }
.Lfunc_end0:
.L_simem_size_0:
called_computation.1_lowered:
.L_overlay_start_0:
0x88: {  	s2 =	sld [smem:$0x3FD9]  }
0x89: {  	s3 =	sld [smem:$0x3FFE];
	_ =	sdelay $0x1  }
0x8a: {  	s1 =	srdreg.scid  }
0x8b: {  	s0 =	sand.u32 $0x1, s1  }
0x8c: {  	s17 =	sshll.u32 s0, $0xA;
	s2 =	sadd.s32 s3, s2  }
0x8d: {  	s2 =	sadd.s32 s2, s17  }
0x8e: {  	[smem:$0x3FC6] =	sst s2  }
0x8f: {  	_ = 	snop  }
0x90: {  	s2 =	sld [smem:$0x3FD0];
	(tm) =	ssettm $0x1  }
0x91: {  	s18 =	sld [smem:$0x3FFB];
	_ =	sdelay $0x3  }
0x92: {  	_ =	strace s18  }
0x93: {  	s3 =	sld [smem:$0x3FFC];
	_ =	sdelay $0x3  }
0x94: {  	_ =	strace s3  }
0x95: {  	s3 =	sld [smem:$0x3FFD];
	_ =	sdelay $0x3  }
0x96: {  	_ =	strace s3  }
0x97: {  	_ =	strace $0x8FFFFFFF  }
0x98: {  	s19 =	sld [smem:$0x3FDB];
	_ =	sdelay $0x1  }
0x99: {  	s4 =	simm.s32 $_scs_section_size  }
0x9a: {  	s5 =	simm.s32 $_size__tile_overlayer_lowered;
	s6 =	simm.s32 $_tile_overlayer_lowered  }
0x9b: {  	s22 =	simm.s32 $0x1BFF;
	s21 =	sshll.u32 s6, $0x1;
	s3 =	sadd.s32 s4, s19  }
0x9c: {  	s7 =	simm.s32 $0x0;
	s20 =	sshll.u32 s5, $0x1;
	s5 =	sadd.s32 s21, s3  }
0x9d: {  	[timem:s7], [sflag:s22] =	dma.local [hbm:s5], s20  }
0x9e: {  	_ =	swait.ge [sflag:s22], s20  }
0x9f: {  	s4 =	ssub.s32 $0x0, s20;
	[sflag:s22] =	ssyncset.done $0x0  }
0xa0: {  	[sflag:s22] =	ssyncadd.s32 s4;
	_ =	sdelay $0x1  }
0xa1: {  	s23 =	simm.s32 $0x1B8B  }
0xa2: {  	_ =	swait.ge [sflag:s23], $0x1  }
0xa3: {  	[sflag:s23] =	ssyncset.done $0x0  }
0xa4: {  	s25 =	simm.s32 $0x1B8E;
	s24 =	sld [smem:$0x3FFE];
	[sflag:s23] =	ssyncadd.s32 $0xFFFFFFFF  }
0xa5: {  	s26 =	simm.s32 $execute0_lowered;
	[smem:$0x3FD2] =	sst s25  }
0xa6: {  	s5 =	sshll.u32 s26, $0x1;
	_ =	strace $0x80000049;
	[dreg:$0x1] =	wrdreg $0xFFFFFFFF  }
0xa7: {  	s28 =	simm.s32 $_size_execute0_lowered;
	s3 =	sadd.s32 s3, s5;
	[dreg:$0x0] =	wrdreg $0x0  }
0xa8: {  	s5 =	sshll.u32 s28, $0x1;
	[dreg:$0x2] =	wrdreg s3  }
0xa9: {  	[dreg:$0x3] =	wrdreg s5  }
0xaa: {  	[dreg:$0x4] =	wrdreg $0xC0  }
0xab: {  	_ =	task [dreg:s7], $0x5FFFF  }
0xac: {  	[dreg:$0x1] =	wrdreg $0xFFFFFFFF  }
0xad: {  	[dreg:$0x0] =	wrdreg $0x60  }
0xae: {  	[dreg:$0x2] =	wrdreg s24  }
0xaf: {  	[dreg:$0x3] =	wrdreg s2  }
0xb0: {  	[dreg:$0x4] =	wrdreg $0x9  }
0xb1: {  	_ =	task.clear_ibuf [dreg:s7], $0x5FFFF;
	_ =	strace $0x90000049  }
0xb2: {  	s29 =	simm.s32 $0x9;
	_ =	strace $0x8000004B  }
0xb3: {  	_ =	swait.ge [sflag:s29], $0x1  }
0xb4: {  	[sflag:s29] =	ssyncadd.s32 $0xFFFFFFFF  }
0xb5: {  	_ =	strace $0x9000004B  }
0xb6: {  	_ =	sfence  }
0xb7: {  	s30 =	sld [smem:$0x0];
	_ =	sdelay $0x2  }
0xb8: {  	s31 =	sshll.u32 s1, $0xD;
	s1 =	sshrl.u32 s1, $0x2  }
0xb9: {  	s3 =	sand.u32 $0x4000, s31;
	s1 =	sadd.s32 s1, s30  }
0xba: {  	s0 =	sor.u32 s3, s0;
	s1 =	sshll.u32 s1, $0x11  }
0xbb: {  	s0 =	sor.u32 s1, s0  }
0xbc: {  	s0 =	sadd.s32 $0x8F2B, s0  }
0xbd: {  	[sflag:s0] =	ssyncadd.remote.s32 $0x1  }
0xbe: {  	_ =	sfence.sel $0xFFFF  }
0xbf: {  	[dreg:$0x0] =	wrdreg $0xFFFFFFFF;
	(pc) =	sbr.abs _section_cstart, $3  }
0xc0: {  	[dreg:$0x1] =	wrdreg $0xFFFFFFFF  }
0xc1: {  	_ =	task.clear_ibuf [dreg:s7], $0x2FFFF;
	_ =	strace $0x9FFFFFFF  }
0xc2: {  	(tm) =	ssettm $0x7FFFFFFF  }
0xc3: {  	_ =	shalt  }
tec
execute0_lowered:
.L_overlay_start_1:
0x0: {  	(tag) =	ssettag $0x1  }
0x1: {  	s5 =	rddreg [dreg:$0x0];
	s1 =	srdreg.scid  }
0x2: {  	s0 =	stileid.u32;
	s2 =	rddreg [dreg:$0x1];
	s3 =	simm.s32 $0x0  }
0x3: {  	s9 =	simm.s32 $0x5;
	s10 =	simm.s32 $0x80;
	s11 =	simm.s32 $0x6400  }
0x4: {  	s12 =	simm.s32 $0x8400;
	s13 =	simm.s32 $0x1;
	s14 =	simm.s32 $0xA400  }
0x5: {  	s15 =	simm.s32 $0x400;
	s16 =	simm.s32 $0x8000;
	s17 =	simm.s32 $0x2  }
0x6: {  	v0 =	vlaneseq.u32;
	s18 =	simm.s32 $0x4;
	s19 =	simm.s32 $0xC400;
	s20 =	simm.s32 $0x3  }
0x7: {  	s21 =	simm.s32 $0x0;
	s4 =	sand.u32 $0x1, s1;
	s6 =	sshll.u32 s0, $0x1;
	v1 =	vmul.u32 $0x40, v0  }
.Ltmp0:
0x8: {  	s1 =	rddreg [dreg:$0x2];
	v9 =	vand.u32 $0x7, v0;
	v10 =	vor.u32 $0x10, v0;
	v11 =	vor.u32 $0x20, v0;
	s6 =	sor.u32 s4, s6;
	(pc) =	sbr.rel .LBB2_1-.Ltmp0, $4  }
0x9: {  	[smem:$0x7FF] =	sst s3;
	v12 =	vor.u32 $0x30, v0;
	v13 =	vor.u32 $0x40, v0;
	v14 =	vor.u32 $0x50, v0;
	s8 =	ssub.s32 $0x2, s4;
	s7 =	smul.u32 $0xC80, s6  }
0xa: {  	v15 =	vor.u32 $0x60, v0;
	v16 =	vor.u32 $0x70, v0;
	_ =	strace $0x8000004A;
	s4 =	sadd.s32 $0xA00, s5;
	s31 =	sshrl.u32 s8, $0x1;
	v2 =	vor.u32 $0x400, v1  }
0xb: {  	s6 =	sshll.u32 s6, $0x7;
	v3 =	vor.u32 $0x800, v1;
	v4 =	vor.u32 $0xC00, v1;
	v5 =	vor.u32 $0x1000, v1;
	s8 =	ssub.s32 s8, s31;
	s5 =	sadd.s32 s7, s5  }
0xc: {  	v6 =	vor.u32 $0x1400, v1;
	v7 =	vor.u32 $0x1800, v1;
	v8 =	vor.u32 $0x1C00, v1;
	s7 =	sadd.s32 $0x8000, s2;
	s8 =	smax.u32 s8, $0x1;
	s5 =	sadd.s32 $0x7A1E00, s5  }
.LBB2_12:
0xd: {  	s21 =	sadd.s32 $0x1, s21  }
0xe: {  	_ =	swait.ge [sflag:s20], $0x2000;
	p0 =	sne.s32 s21, s8  }
.Ltmp1:
0xf: {  	[sflag:s20] =	ssyncset.done $0x0;
	(pc) =	sbr.rel @!p0 .LBB2_13-.Ltmp1, $4  }
0x10: {  	[sflag:s20] =	ssyncadd.s32 $0xFFFFE000  }
0x11: {  	_ =	swait.ge [sflag:s18], $0x2000  }
0x12: {  	[sflag:s18] =	ssyncset.done $0x0  }
0x13: {  	[sflag:s18] =	ssyncadd.s32 $0xFFFFE000  }
.LBB2_1:
0x14: {  	[tilespmem:s3], [sflag:$0x5] =	stream.linear.gather [hbm4b:s5+s3], $0x6400, $0x38;
	[tilespmem:$0xE400] =	vst v63  }
0x15: {  	_ =	swait.ge [sflag:s9], $0x6400  }
0x16: {  	[sflag:s9] =	ssyncset.done $0x0  }
0x17: {  	[sflag:s9] =	ssyncadd.s32 $0xFFFF9C00  }
0x18: {  	[tilespmem:s11], [sflag:$0x1] =	stream.indirect.gather [hbm4b:s4+s10], $0x40, s3, s10, $0xb8;
	[tilespmem:$0xE400] =	vst v63  }
0x19: {  	s22 =	simm.s32 $0x0  }
0x1a: {  	[tilespmem:s12], [sflag:$0x2] =	stream.indirect.gather [hbm4b:s4+s10], $0x40, s10, s10, $0xb8;
	[tilespmem:$0xE400] =	vst v63  }
.LBB2_2:
0x1b: {  	s23 =	simm.s32 $0x0  }
0x1c: {  	v17 =	vadd.s32 s23, v0  }
0x1d: {  	_ =	swait.ge [sflag:s13], $0x2000;
	v18 =	vand.u32 $0x3F, v17  }
0x1e: {  	p0 =	seq.s32 s22, $0x0;
	[sflag:s13] =	ssyncset.done $0x0;
	v19 =	vor.u32 v1, v18  }
0x1f: {  	s23 =	simm.s32 @!p0 $0x3;
	[sflag:s13] =	ssyncadd.s32 $0xFFFFE000;
	v20 =	vor.u32 v2, v18  }
0x20: {  	_ =	swait.ge @!p0 [sflag:s23], $0x2000;
	v21 =	vor.u32 v3, v18  }
0x21: {  	v17 =	vshll.u32 v17, $0x7;
	v22 =	vor.u32 v4, v18;
	v23 =	vor.u32 v5, v18;
	[sflag:s23] =	ssyncset.done @!p0 $0x0  }
0x22: {  	v24 =	vor.u32 v10, v17;
	v25 =	vor.u32 v6, v18;
	v26 =	vor.u32 v0, v17;
	[sflag:s23] =	ssyncadd.s32 @!p0 $0xFFFFE000  }
0x23: {  	v27 =	vand.u32 $0x1C00, v17;
	v28 =	vor.u32 v8, v18;
	v18 =	vor.u32 v7, v18;
	v19 =	vld.idx.msk [tilespmem:v19+s11+$0x0], $0xffff  }
0x24: {  	v29 =	vor.u32 v11, v17;
	v26 =	vand.u32 $0x388, v26;
	v27 =	vor.u32 v9, v27;
	v20 =	vld.idx.msk [tilespmem:v20+s11+$0x0], $0xffff  }
0x25: {  	v30 =	vor.u32 v12, v17;
	v24 =	vand.u32 $0x398, v24;
	v26 =	vor.u32 v26, v27;
	v21 =	vld.idx.msk [tilespmem:v21+s11+$0x0], $0xffff  }
0x26: {  	v31 =	vor.u32 v13, v17;
	v29 =	vand.u32 $0x3A8, v29;
	v24 =	vor.u32 v24, v27;
	v22 =	vld.idx.msk [tilespmem:v22+s11+$0x0], $0xffff  }
0x27: {  	v32 =	vor.u32 v14, v17;
	v30 =	vand.u32 $0x3B8, v30;
	v29 =	vor.u32 v29, v27;
	v23 =	vld.idx.msk [tilespmem:v23+s11+$0x0], $0xffff  }
0x28: {  	v33 =	vor.u32 v15, v17;
	v31 =	vand.u32 $0x3C8, v31;
	v30 =	vor.u32 v30, v27;
	v25 =	vld.idx.msk [tilespmem:v25+s11+$0x0], $0xffff  }
0x29: {  	v17 =	vor.u32 v16, v17;
	v32 =	vand.u32 $0x3D8, v32;
	v31 =	vor.u32 v31, v27;
	v28 =	vld.idx.msk [tilespmem:v28+s11+$0x0], $0xffff  }
0x2a: {  	s31 =	simm.s32 $0x1;
	v32 =	vor.u32 v32, v27;
	v18 =	vld.idx.msk [tilespmem:v18+s11+$0x0], $0xffff;
	[tilespmem:v26+s14+$0x0] =	vst.idx.msk $0xffff, v19;
	v19 =	vand.u32 $0x3E8, v33  }
0x2b: {  	v17 =	vand.u32 $0x3F8, v17;
	[tilespmem:v24+s14+$0x0] =	vst.idx.msk $0xffff, v20;
	v19 =	vor.u32 v19, v27;
	v20 =	vadd.s32 s31, v0  }
0x2c: {  	v17 =	vor.u32 v17, v27;
	[tilespmem:v29+s14+$0x0] =	vst.idx.msk $0xffff, v21;
	v21 =	vand.u32 $0x3F, v20  }
0x2d: {  	[tilespmem:v30+s14+$0x0] =	vst.idx.msk $0xffff, v22;
	v22 =	vor.u32 v3, v21  }
0x2e: {  	v24 =	vor.u32 v1, v21;
	[tilespmem:v31+s14+$0x0] =	vst.idx.msk $0xffff, v23  }
0x2f: {  	v23 =	vor.u32 v2, v21;
	[tilespmem:v32+s14+$0x0] =	vst.idx.msk $0xffff, v25  }
0x30: {  	[tilespmem:v19+s14+$0x0] =	vst.idx.msk $0xffff, v18;
	v18 =	vor.u32 v4, v21  }
0x31: {  	v26 =	vor.u32 v8, v21;
	[tilespmem:v17+s14+$0x0] =	vst.idx.msk $0xffff, v28;
	v17 =	vor.u32 v5, v21  }
0x32: {  	v30 =	vor.u32 v7, v21;
	v25 =	vshll.u32 v20, $0x7;
	v29 =	vld.idx.msk [tilespmem:v22+s11+$0x0], $0xffff;
	v22 =	vor.u32 v6, v21  }
0x33: {  	v19 =	vor.u32 v0, v25;
	v20 =	vand.u32 $0x1C00, v25;
	v34 =	vor.u32 v14, v25;
	v27 =	vld.idx.msk [tilespmem:v24+s11+$0x0], $0xffff  }
0x34: {  	v19 =	vand.u32 $0x388, v19;
	v28 =	vor.u32 v9, v20;
	v20 =	vor.u32 v10, v25;
	v23 =	vld.idx.msk [tilespmem:v23+s11+$0x0], $0xffff  }
0x35: {  	v31 =	vor.u32 v19, v28;
	v20 =	vand.u32 $0x398, v20;
	v21 =	vor.u32 v11, v25;
	v19 =	vld.idx.msk [tilespmem:v18+s11+$0x0], $0xffff  }
0x36: {  	v62 =	vor.u32 v20, v28;
	v21 =	vand.u32 $0x3A8, v21;
	v18 =	vor.u32 v12, v25;
	v20 =	vld.idx.msk [tilespmem:v17+s11+$0x0], $0xffff  }
0x37: {  	v63 =	vor.u32 v21, v28;
	v17 =	vor.u32 v13, v25;
	v21 =	vld.idx.msk [tilespmem:v22+s11+$0x0], $0xffff;
	v22 =	vand.u32 $0x3B8, v18  }
0x38: {  	v35 =	vor.u32 v15, v25;
	v17 =	vand.u32 $0x3C8, v17;
	v24 =	vor.u32 v22, v28  }
0x39: {  	v36 =	vor.u32 v16, v25;
	v25 =	vand.u32 $0x3D8, v34;
	v18 =	vld.idx.msk [tilespmem:v26+s11+$0x0], $0xffff;
	v26 =	vor.u32 v17, v28  }
0x3a: {  	s24 =	simm.s32 $0x2;
	v25 =	vor.u32 v25, v28;
	v22 =	vld.idx.msk [tilespmem:v30+s11+$0x0], $0xffff;
	v17 =	vand.u32 $0x3E8, v35;
	[tilespmem:v31+s14+$0x0] =	vst.idx.msk $0xffff, v27  }
0x3b: {  	v30 =	vadd.s32 s24, v0;
	v27 =	vor.u32 v17, v28;
	v17 =	vand.u32 $0x3F8, v36;
	[tilespmem:v62+s14+$0x0] =	vst.idx.msk $0xffff, v23  }
0x3c: {  	s25 =	simm.s32 $0x4;
	s23 =	sshll.u32 s22, $0xA;
	v23 =	vand.u32 $0x3F, v30;
	v28 =	vor.u32 v17, v28;
	v17 =	vshll.u32 v30, $0x7;
	[tilespmem:v63+s14+$0x0] =	vst.idx.msk $0xffff, v29  }
.LBB2_3:
0x3d: {  	p1 =	slt.u32 s25, $0x3E;
	v29 =	vor.u32 v1, v23;
	[tilespmem:v24+s14+$0x0] =	vst.idx.msk $0xffff, v19;
	s26 =	smov.u32 s25;
	s25 =	sadd.s32 $0x2, s25  }
0x3e: {  	v19 =	vor.u32 v2, v23;
	v24 =	vor.u32 v11, v17;
	[tilespmem:v26+s14+$0x0] =	vst.idx.msk $0xffff, v20  }
0x3f: {  	v20 =	vor.u32 v3, v23;
	v26 =	vor.u32 v10, v17;
	[tilespmem:v25+s14+$0x0] =	vst.idx.msk $0xffff, v21  }
0x40: {  	v21 =	vor.u32 v4, v23;
	v25 =	vor.u32 v7, v23;
	[tilespmem:v27+s14+$0x0] =	vst.idx.msk $0xffff, v22  }
0x41: {  	v30 =	vand.u32 $0x1C00, v17;
	v22 =	vor.u32 v5, v23;
	v27 =	vor.u32 v0, v17;
	[tilespmem:v28+s14+$0x0] =	vst.idx.msk $0xffff, v18  }
0x42: {  	v28 =	vor.u32 v6, v23;
	v27 =	vand.u32 $0x388, v27;
	v18 =	vld.idx.msk [tilespmem:v29+s11+$0x0], $0xffff;
	v29 =	vor.u32 v9, v30  }
0x43: {  	v26 =	vand.u32 $0x398, v26;
	v23 =	vor.u32 v8, v23;
	v19 =	vld.idx.msk [tilespmem:v19+s11+$0x0], $0xffff;
	v27 =	vor.u32 v27, v29  }
0x44: {  	v24 =	vand.u32 $0x3A8, v24;
	v30 =	vor.u32 v12, v17;
	v26 =	vor.u32 v26, v29;
	v20 =	vld.idx.msk [tilespmem:v20+s11+$0x0], $0xffff  }
0x45: {  	v31 =	vor.u32 v13, v17;
	v24 =	vor.u32 v24, v29;
	v30 =	vand.u32 $0x3B8, v30;
	v21 =	vld.idx.msk [tilespmem:v21+s11+$0x0], $0xffff  }
0x46: {  	v32 =	vor.u32 v14, v17;
	v31 =	vand.u32 $0x3C8, v31;
	v30 =	vor.u32 v30, v29;
	v22 =	vld.idx.msk [tilespmem:v22+s11+$0x0], $0xffff  }
0x47: {  	v32 =	vand.u32 $0x3D8, v32;
	v31 =	vor.u32 v31, v29;
	v28 =	vld.idx.msk [tilespmem:v28+s11+$0x0], $0xffff  }
0x48: {  	v32 =	vor.u32 v32, v29;
	v23 =	vld.idx.msk [tilespmem:v23+s11+$0x0], $0xffff  }
0x49: {  	v33 =	vor.u32 v15, v17;
	v25 =	vld.idx.msk [tilespmem:v25+s11+$0x0], $0xffff  }
0x4a: {  	s28 =	sadd.s32 $0x1, s24;
	s24 =	smov.u32 s26;
	v17 =	vor.u32 v16, v17;
	[tilespmem:v27+s14+$0x0] =	vst.idx.msk $0xffff, v18;
	v18 =	vand.u32 $0x3E8, v33  }
0x4b: {  	v17 =	vand.u32 $0x3F8, v17;
	[tilespmem:v26+s14+$0x0] =	vst.idx.msk $0xffff, v19;
	v18 =	vor.u32 v18, v29;
	v19 =	vadd.s32 s28, v0  }
0x4c: {  	v17 =	vor.u32 v17, v29;
	[tilespmem:v24+s14+$0x0] =	vst.idx.msk $0xffff, v20;
	v20 =	vshll.u32 v19, $0x7;
	v19 =	vand.u32 $0x3F, v19  }
0x4d: {  	[tilespmem:v30+s14+$0x0] =	vst.idx.msk $0xffff, v21;
	v21 =	vor.u32 v3, v19;
	v24 =	vor.u32 v0, v20;
	v26 =	vand.u32 $0x1C00, v20  }
0x4e: {  	v27 =	vor.u32 v2, v19;
	[tilespmem:v31+s14+$0x0] =	vst.idx.msk $0xffff, v22;
	v22 =	vor.u32 v1, v19;
	v24 =	vand.u32 $0x388, v24  }
0x4f: {  	[tilespmem:v32+s14+$0x0] =	vst.idx.msk $0xffff, v28;
	v28 =	vor.u32 v9, v26;
	v26 =	vor.u32 v10, v20  }
0x50: {  	[tilespmem:v18+s14+$0x0] =	vst.idx.msk $0xffff, v25;
	v18 =	vor.u32 v4, v19;
	v29 =	vor.u32 v24, v28;
	v24 =	vand.u32 $0x398, v26  }
0x51: {  	[tilespmem:v17+s14+$0x0] =	vst.idx.msk $0xffff, v23;
	v17 =	vor.u32 v5, v19;
	v23 =	vor.u32 v24, v28  }
0x52: {  	v25 =	vor.u32 v12, v20;
	v24 =	vor.u32 v11, v20;
	v30 =	vld.idx.msk [tilespmem:v21+s11+$0x0], $0xffff;
	v21 =	vor.u32 v6, v19  }
0x53: {  	v26 =	vor.u32 v8, v19;
	v24 =	vand.u32 $0x3A8, v24;
	v31 =	vld.idx.msk [tilespmem:v27+s11+$0x0], $0xffff;
	v27 =	vor.u32 v13, v20  }
0x54: {  	v34 =	vor.u32 v14, v20;
	v33 =	vor.u32 v24, v28;
	v32 =	vld.idx.msk [tilespmem:v22+s11+$0x0], $0xffff;
	v22 =	vor.u32 v7, v19  }
0x55: {  	v35 =	vor.u32 v15, v20;
	v36 =	vor.u32 v16, v20;
	v19 =	vld.idx.msk [tilespmem:v18+s11+$0x0], $0xffff  }
0x56: {  	v20 =	vld.idx.msk [tilespmem:v17+s11+$0x0], $0xffff;
	v17 =	vand.u32 $0x3B8, v25  }
0x57: {  	v21 =	vld.idx.msk [tilespmem:v21+s11+$0x0], $0xffff;
	v24 =	vor.u32 v17, v28;
	v17 =	vand.u32 $0x3C8, v27  }
.Ltmp2:
0x58: {  	v18 =	vld.idx.msk [tilespmem:v26+s11+$0x0], $0xffff;
	v26 =	vor.u32 v17, v28;
	v17 =	vand.u32 $0x3D8, v34;
	(pc) =	sbr.rel @p1 .LBB2_3-.Ltmp2, $4  }
0x59: {  	v22 =	vld.idx.msk [tilespmem:v22+s11+$0x0], $0xffff;
	v25 =	vor.u32 v17, v28;
	v17 =	vand.u32 $0x3E8, v35  }
0x5a: {  	[tilespmem:v29+s14+$0x0] =	vst.idx.msk $0xffff, v32;
	v27 =	vor.u32 v17, v28;
	v17 =	vand.u32 $0x3F8, v36  }
0x5b: {  	v29 =	vadd.s32 s24, v0;
	[tilespmem:v23+s14+$0x0] =	vst.idx.msk $0xffff, v31;
	v28 =	vor.u32 v17, v28  }
0x5c: {  	v17 =	vshll.u32 v29, $0x7;
	v23 =	vand.u32 $0x3F, v29;
	[tilespmem:v33+s14+$0x0] =	vst.idx.msk $0xffff, v30  }
0x5d: {  	_ =	sdelay $0x3  }
0x5e: {  	v29 =	vor.u32 v1, v23;
	[tilespmem:v24+s14+$0x0] =	vst.idx.msk $0xffff, v19  }
0x5f: {  	v19 =	vor.u32 v2, v23;
	[tilespmem:v26+s14+$0x0] =	vst.idx.msk $0xffff, v20  }
0x60: {  	v39 =	vor.u32 v3, v23;
	[tilespmem:v25+s14+$0x0] =	vst.idx.msk $0xffff, v21  }
0x61: {  	v40 =	vor.u32 v4, v23;
	v41 =	vor.u32 v5, v23;
	[tilespmem:v27+s14+$0x0] =	vst.idx.msk $0xffff, v22  }
0x62: {  	v42 =	vor.u32 v6, v23;
	v43 =	vor.u32 v0, v17;
	v44 =	vand.u32 $0x1C00, v17;
	[tilespmem:v28+s14+$0x0] =	vst.idx.msk $0xffff, v18  }
0x63: {  	v45 =	vor.u32 v8, v23;
	v46 =	vor.u32 v7, v23;
	v47 =	vor.u32 v11, v17;
	v24 =	vld.idx.msk [tilespmem:v29+s11+$0x0], $0xffff  }
0x64: {  	v26 =	vand.u32 $0x388, v43;
	v27 =	vor.u32 v9, v44;
	v18 =	vor.u32 v10, v17;
	v19 =	vld.idx.msk [tilespmem:v19+s11+$0x0], $0xffff  }
0x65: {  	v30 =	vor.u32 v12, v17;
	v26 =	vor.u32 v26, v27;
	v20 =	vld.idx.msk [tilespmem:v39+s11+$0x0], $0xffff;
	v18 =	vand.u32 $0x398, v18  }
0x66: {  	v31 =	vor.u32 v13, v17;
	v21 =	vld.idx.msk [tilespmem:v40+s11+$0x0], $0xffff;
	v29 =	vand.u32 $0x3A8, v47;
	v18 =	vor.u32 v18, v27  }
0x67: {  	v32 =	vor.u32 v14, v17;
	v30 =	vand.u32 $0x3B8, v30;
	v22 =	vld.idx.msk [tilespmem:v41+s11+$0x0], $0xffff;
	v29 =	vor.u32 v29, v27  }
0x68: {  	v33 =	vor.u32 v15, v17;
	v31 =	vand.u32 $0x3C8, v31;
	v30 =	vor.u32 v30, v27;
	v25 =	vld.idx.msk [tilespmem:v42+s11+$0x0], $0xffff  }
0x69: {  	v32 =	vand.u32 $0x3D8, v32;
	v48 =	vand.u32 $0x3E8, v33;
	v31 =	vor.u32 v31, v27;
	v28 =	vld.idx.msk [tilespmem:v45+s11+$0x0], $0xffff  }
0x6a: {  	s24 =	sadd.s32 $0x1, s24;
	v32 =	vor.u32 v32, v27;
	v17 =	vor.u32 v16, v17;
	v23 =	vld.idx.msk [tilespmem:v46+s11+$0x0], $0xffff;
	[tilespmem:v26+s14+$0x0] =	vst.idx.msk $0xffff, v24  }
0x6b: {  	v17 =	vand.u32 $0x3F8, v17;
	[tilespmem:v18+s14+$0x0] =	vst.idx.msk $0xffff, v19;
	v18 =	vor.u32 v48, v27;
	v19 =	vadd.s32 s24, v0  }
0x6c: {  	v17 =	vor.u32 v17, v27;
	[tilespmem:v29+s14+$0x0] =	vst.idx.msk $0xffff, v20;
	v49 =	vand.u32 $0x3F, v19  }
0x6d: {  	[tilespmem:v30+s14+$0x0] =	vst.idx.msk $0xffff, v21;
	v50 =	vor.u32 v3, v49  }
0x6e: {  	v51 =	vor.u32 v2, v49;
	[tilespmem:v31+s14+$0x0] =	vst.idx.msk $0xffff, v22  }
0x6f: {  	v19 =	vshll.u32 v19, $0x7;
	v52 =	vor.u32 v1, v49;
	[tilespmem:v32+s14+$0x0] =	vst.idx.msk $0xffff, v25  }
0x70: {  	v53 =	vor.u32 v0, v19;
	v54 =	vor.u32 v6, v49;
	[tilespmem:v18+s14+$0x0] =	vst.idx.msk $0xffff, v23  }
0x71: {  	v55 =	vand.u32 $0x1C00, v19;
	v56 =	vor.u32 v8, v49;
	v57 =	vor.u32 v10, v19;
	[tilespmem:v17+s14+$0x0] =	vst.idx.msk $0xffff, v28  }
0x72: {  	v20 =	vor.u32 v7, v49;
	v58 =	vor.u32 v11, v19;
	v18 =	vor.u32 v4, v49;
	v21 =	vld.idx.msk [tilespmem:v50+s11+$0x0], $0xffff  }
0x73: {  	v26 =	vor.u32 v9, v55;
	v23 =	vand.u32 $0x388, v53;
	v17 =	vor.u32 v5, v49;
	v22 =	vld.idx.msk [tilespmem:v51+s11+$0x0], $0xffff  }
0x74: {  	v59 =	vor.u32 v12, v19;
	v23 =	vor.u32 v23, v26;
	v28 =	vand.u32 $0x398, v57;
	v24 =	vld.idx.msk [tilespmem:v52+s11+$0x0], $0xffff  }
0x75: {  	v60 =	vor.u32 v13, v19;
	v29 =	vand.u32 $0x3A8, v58;
	v28 =	vor.u32 v28, v26;
	v25 =	vld.idx.msk [tilespmem:v54+s11+$0x0], $0xffff  }
0x76: {  	v61 =	vor.u32 v14, v19;
	v30 =	vand.u32 $0x3B8, v59;
	v29 =	vor.u32 v29, v26;
	v27 =	vld.idx.msk [tilespmem:v56+s11+$0x0], $0xffff  }
0x77: {  	v62 =	vor.u32 v15, v19;
	v31 =	vand.u32 $0x3C8, v60;
	v30 =	vor.u32 v30, v26;
	v18 =	vld.idx.msk [tilespmem:v18+s11+$0x0], $0xffff  }
0x78: {  	v19 =	vor.u32 v16, v19;
	v31 =	vor.u32 v31, v26;
	v32 =	vand.u32 $0x3D8, v61;
	v17 =	vld.idx.msk [tilespmem:v17+s11+$0x0], $0xffff  }
0x79: {  	v33 =	vand.u32 $0x3E8, v62;
	v32 =	vor.u32 v32, v26;
	v20 =	vld.idx.msk [tilespmem:v20+s11+$0x0], $0xffff;
	[tilespmem:v23+s14+$0x0] =	vst.idx.msk $0xffff, v24  }
0x7a: {  	v19 =	vand.u32 $0x3F8, v19;
	v63 =	vor.u32 v33, v26;
	[tilespmem:v28+s14+$0x0] =	vst.idx.msk $0xffff, v22  }
0x7b: {  	v19 =	vor.u32 v19, v26;
	[tilespmem:v29+s14+$0x0] =	vst.idx.msk $0xffff, v21  }
0x7c: {  	p1 =	sne.s32 s22, $0x63;
	[tilespmem:v30+s14+$0x0] =	vst.idx.msk $0xffff, v18  }
.Ltmp3:
0x7d: {  	[tilespmem:v31+s14+$0x0] =	vst.idx.msk $0xffff, v17;
	(pc) =	sbr.rel @p1 .LBB2_6-.Ltmp3, $4  }
0x7e: {  	s31 =	sshll.u32 s22, $0x10;
	[tilespmem:v32+s14+$0x0] =	vst.idx.msk $0xffff, v25  }
0x7f: {  	s24 =	sor.u32 s6, s31;
	[tilespmem:v63+s14+$0x0] =	vst.idx.msk $0xffff, v20  }
0x80: {  	s25 =	sadd.s32 s2, s24;
	[tilespmem:v19+s14+$0x0] =	vst.idx.msk $0xffff, v27  }
0x81: {  	[hbm4b:s25+s15] =	stream.strided.scatter [tilespmem:s14], [sflag:$0x3], $0x2000, s16, s15, $0x38;
	[tilespmem:$0xE400] =	vst v63  }
.Ltmp4:
0x82: {  	(pc) =	sbr.rel .LBB2_7-.Ltmp4, $4  }
0x83: {  	_ = 	snop  }
0x84: {  	_ =	swait.ge [sflag:s17], $0x2000  }
0x85: {  	[sflag:s17] =	ssyncset.done $0x0  }
0x86: {  	[sflag:s17] =	ssyncadd.s32 $0xFFFFE000  }
.LBB2_6:
0x87: {  	s25 =	sshrl.u32 s23, $0x2  }
.Ltmp5:
0x88: {  	s25 =	sadd.s32 $0x100, s25;
	(pc) =	sbr.rel @p0 .LBB2_8-.Ltmp5, $4  }
0x89: {  	[tilespmem:s11], [sflag:$0x1] =	stream.indirect.gather [hbm4b:s4+s10], $0x40, s25, s10, $0xb8;
	[tilespmem:$0xE400] =	vst v63  }
0x8a: {  	_ =	swait.ge [sflag:s17], $0x2000  }
0x8b: {  	[sflag:s17] =	ssyncset.done $0x0  }
0x8c: {  	[sflag:s17] =	ssyncadd.s32 $0xFFFFE000  }
.LBB2_7:
0x8d: {  	_ =	swait.ge [sflag:s18], $0x2000  }
0x8e: {  	[sflag:s18] =	ssyncset.done $0x0  }
0x8f: {  	[sflag:s18] =	ssyncadd.s32 $0xFFFFE000  }
.LBB2_8:
0x90: {  	s25 =	simm.s32 $0x0  }
0x91: {  	v17 =	vadd.s32 s25, v0  }
0x92: {  	v18 =	vand.u32 $0x3F, v17  }
0x93: {  	v19 =	vor.u32 v1, v18  }
0x94: {  	v20 =	vor.u32 v2, v18  }
0x95: {  	v21 =	vor.u32 v3, v18  }
0x96: {  	v17 =	vshll.u32 v17, $0x7;
	v22 =	vor.u32 v4, v18;
	v23 =	vor.u32 v5, v18  }
0x97: {  	v24 =	vor.u32 v10, v17;
	v25 =	vor.u32 v6, v18;
	v26 =	vor.u32 v0, v17  }
0x98: {  	v27 =	vand.u32 $0x1C00, v17;
	v28 =	vor.u32 v8, v18;
	v18 =	vor.u32 v7, v18;
	v19 =	vld.idx.msk [tilespmem:v19+s12+$0x0], $0xffff  }
0x99: {  	v29 =	vor.u32 v11, v17;
	v26 =	vand.u32 $0x388, v26;
	v27 =	vor.u32 v9, v27;
	v20 =	vld.idx.msk [tilespmem:v20+s12+$0x0], $0xffff  }
0x9a: {  	v30 =	vor.u32 v12, v17;
	v24 =	vand.u32 $0x398, v24;
	v26 =	vor.u32 v26, v27;
	v21 =	vld.idx.msk [tilespmem:v21+s12+$0x0], $0xffff  }
0x9b: {  	v31 =	vor.u32 v13, v17;
	v29 =	vand.u32 $0x3A8, v29;
	v24 =	vor.u32 v24, v27;
	v22 =	vld.idx.msk [tilespmem:v22+s12+$0x0], $0xffff  }
0x9c: {  	v32 =	vor.u32 v14, v17;
	v30 =	vand.u32 $0x3B8, v30;
	v29 =	vor.u32 v29, v27;
	v23 =	vld.idx.msk [tilespmem:v23+s12+$0x0], $0xffff  }
0x9d: {  	v33 =	vor.u32 v15, v17;
	v31 =	vand.u32 $0x3C8, v31;
	v30 =	vor.u32 v30, v27;
	v25 =	vld.idx.msk [tilespmem:v25+s12+$0x0], $0xffff  }
0x9e: {  	v17 =	vor.u32 v16, v17;
	v32 =	vand.u32 $0x3D8, v32;
	v31 =	vor.u32 v31, v27;
	v28 =	vld.idx.msk [tilespmem:v28+s12+$0x0], $0xffff  }
0x9f: {  	s31 =	simm.s32 $0x1;
	v32 =	vor.u32 v32, v27;
	v18 =	vld.idx.msk [tilespmem:v18+s12+$0x0], $0xffff;
	[tilespmem:v26+s19+$0x0] =	vst.idx.msk $0xffff, v19;
	v19 =	vand.u32 $0x3E8, v33  }
0xa0: {  	v17 =	vand.u32 $0x3F8, v17;
	[tilespmem:v24+s19+$0x0] =	vst.idx.msk $0xffff, v20;
	v19 =	vor.u32 v19, v27;
	v20 =	vadd.s32 s31, v0  }
0xa1: {  	v17 =	vor.u32 v17, v27;
	[tilespmem:v29+s19+$0x0] =	vst.idx.msk $0xffff, v21;
	v21 =	vand.u32 $0x3F, v20  }
0xa2: {  	[tilespmem:v30+s19+$0x0] =	vst.idx.msk $0xffff, v22;
	v22 =	vor.u32 v3, v21  }
0xa3: {  	v24 =	vor.u32 v1, v21;
	[tilespmem:v31+s19+$0x0] =	vst.idx.msk $0xffff, v23  }
0xa4: {  	v23 =	vor.u32 v2, v21;
	[tilespmem:v32+s19+$0x0] =	vst.idx.msk $0xffff, v25  }
0xa5: {  	[tilespmem:v19+s19+$0x0] =	vst.idx.msk $0xffff, v18;
	v18 =	vor.u32 v4, v21  }
0xa6: {  	v26 =	vor.u32 v8, v21;
	[tilespmem:v17+s19+$0x0] =	vst.idx.msk $0xffff, v28;
	v17 =	vor.u32 v5, v21  }
0xa7: {  	v30 =	vor.u32 v7, v21;
	v25 =	vshll.u32 v20, $0x7;
	v29 =	vld.idx.msk [tilespmem:v22+s12+$0x0], $0xffff;
	v22 =	vor.u32 v6, v21  }
0xa8: {  	v19 =	vor.u32 v0, v25;
	v20 =	vand.u32 $0x1C00, v25;
	v34 =	vor.u32 v14, v25;
	v27 =	vld.idx.msk [tilespmem:v24+s12+$0x0], $0xffff  }
0xa9: {  	v19 =	vand.u32 $0x388, v19;
	v28 =	vor.u32 v9, v20;
	v20 =	vor.u32 v10, v25;
	v23 =	vld.idx.msk [tilespmem:v23+s12+$0x0], $0xffff  }
0xaa: {  	v31 =	vor.u32 v19, v28;
	v20 =	vand.u32 $0x398, v20;
	v21 =	vor.u32 v11, v25;
	v19 =	vld.idx.msk [tilespmem:v18+s12+$0x0], $0xffff  }
0xab: {  	v62 =	vor.u32 v20, v28;
	v21 =	vand.u32 $0x3A8, v21;
	v18 =	vor.u32 v12, v25;
	v20 =	vld.idx.msk [tilespmem:v17+s12+$0x0], $0xffff  }
0xac: {  	v63 =	vor.u32 v21, v28;
	v17 =	vor.u32 v13, v25;
	v21 =	vld.idx.msk [tilespmem:v22+s12+$0x0], $0xffff;
	v22 =	vand.u32 $0x3B8, v18  }
0xad: {  	v35 =	vor.u32 v15, v25;
	v17 =	vand.u32 $0x3C8, v17;
	v24 =	vor.u32 v22, v28  }
0xae: {  	v36 =	vor.u32 v16, v25;
	v25 =	vand.u32 $0x3D8, v34;
	v18 =	vld.idx.msk [tilespmem:v26+s12+$0x0], $0xffff;
	v26 =	vor.u32 v17, v28  }
0xaf: {  	s25 =	simm.s32 $0x2;
	v25 =	vor.u32 v25, v28;
	v22 =	vld.idx.msk [tilespmem:v30+s12+$0x0], $0xffff;
	v17 =	vand.u32 $0x3E8, v35;
	[tilespmem:v31+s19+$0x0] =	vst.idx.msk $0xffff, v27  }
0xb0: {  	v30 =	vadd.s32 s25, v0;
	v27 =	vor.u32 v17, v28;
	v17 =	vand.u32 $0x3F8, v36;
	[tilespmem:v62+s19+$0x0] =	vst.idx.msk $0xffff, v23  }
0xb1: {  	s26 =	simm.s32 $0x4;
	v23 =	vand.u32 $0x3F, v30;
	v28 =	vor.u32 v17, v28;
	v17 =	vshll.u32 v30, $0x7;
	[tilespmem:v63+s19+$0x0] =	vst.idx.msk $0xffff, v29  }
.LBB2_9:
0xb2: {  	p0 =	slt.u32 s26, $0x3E;
	v29 =	vor.u32 v1, v23;
	[tilespmem:v24+s19+$0x0] =	vst.idx.msk $0xffff, v19;
	s28 =	smov.u32 s26;
	s26 =	sadd.s32 $0x2, s26  }
0xb3: {  	v19 =	vor.u32 v2, v23;
	v24 =	vor.u32 v11, v17;
	[tilespmem:v26+s19+$0x0] =	vst.idx.msk $0xffff, v20  }
0xb4: {  	v20 =	vor.u32 v3, v23;
	v26 =	vor.u32 v10, v17;
	[tilespmem:v25+s19+$0x0] =	vst.idx.msk $0xffff, v21  }
0xb5: {  	v21 =	vor.u32 v4, v23;
	v25 =	vor.u32 v7, v23;
	[tilespmem:v27+s19+$0x0] =	vst.idx.msk $0xffff, v22  }
0xb6: {  	v30 =	vand.u32 $0x1C00, v17;
	v22 =	vor.u32 v5, v23;
	v27 =	vor.u32 v0, v17;
	[tilespmem:v28+s19+$0x0] =	vst.idx.msk $0xffff, v18  }
0xb7: {  	v28 =	vor.u32 v6, v23;
	v27 =	vand.u32 $0x388, v27;
	v18 =	vld.idx.msk [tilespmem:v29+s12+$0x0], $0xffff;
	v29 =	vor.u32 v9, v30  }
0xb8: {  	v26 =	vand.u32 $0x398, v26;
	v23 =	vor.u32 v8, v23;
	v19 =	vld.idx.msk [tilespmem:v19+s12+$0x0], $0xffff;
	v27 =	vor.u32 v27, v29  }
0xb9: {  	v24 =	vand.u32 $0x3A8, v24;
	v30 =	vor.u32 v12, v17;
	v26 =	vor.u32 v26, v29;
	v20 =	vld.idx.msk [tilespmem:v20+s12+$0x0], $0xffff  }
0xba: {  	v31 =	vor.u32 v13, v17;
	v24 =	vor.u32 v24, v29;
	v30 =	vand.u32 $0x3B8, v30;
	v21 =	vld.idx.msk [tilespmem:v21+s12+$0x0], $0xffff  }
0xbb: {  	v32 =	vor.u32 v14, v17;
	v31 =	vand.u32 $0x3C8, v31;
	v30 =	vor.u32 v30, v29;
	v22 =	vld.idx.msk [tilespmem:v22+s12+$0x0], $0xffff  }
0xbc: {  	v32 =	vand.u32 $0x3D8, v32;
	v31 =	vor.u32 v31, v29;
	v28 =	vld.idx.msk [tilespmem:v28+s12+$0x0], $0xffff  }
0xbd: {  	v32 =	vor.u32 v32, v29;
	v23 =	vld.idx.msk [tilespmem:v23+s12+$0x0], $0xffff  }
0xbe: {  	v33 =	vor.u32 v15, v17;
	v25 =	vld.idx.msk [tilespmem:v25+s12+$0x0], $0xffff  }
0xbf: {  	s29 =	sadd.s32 $0x1, s25;
	s25 =	smov.u32 s28;
	v17 =	vor.u32 v16, v17;
	[tilespmem:v27+s19+$0x0] =	vst.idx.msk $0xffff, v18;
	v18 =	vand.u32 $0x3E8, v33  }
0xc0: {  	v17 =	vand.u32 $0x3F8, v17;
	[tilespmem:v26+s19+$0x0] =	vst.idx.msk $0xffff, v19;
	v18 =	vor.u32 v18, v29;
	v19 =	vadd.s32 s29, v0  }
0xc1: {  	v17 =	vor.u32 v17, v29;
	[tilespmem:v24+s19+$0x0] =	vst.idx.msk $0xffff, v20;
	v20 =	vshll.u32 v19, $0x7;
	v19 =	vand.u32 $0x3F, v19  }
0xc2: {  	[tilespmem:v30+s19+$0x0] =	vst.idx.msk $0xffff, v21;
	v21 =	vor.u32 v3, v19;
	v24 =	vor.u32 v0, v20;
	v26 =	vand.u32 $0x1C00, v20  }
0xc3: {  	v27 =	vor.u32 v2, v19;
	[tilespmem:v31+s19+$0x0] =	vst.idx.msk $0xffff, v22;
	v22 =	vor.u32 v1, v19;
	v24 =	vand.u32 $0x388, v24  }
0xc4: {  	[tilespmem:v32+s19+$0x0] =	vst.idx.msk $0xffff, v28;
	v28 =	vor.u32 v9, v26;
	v26 =	vor.u32 v10, v20  }
0xc5: {  	[tilespmem:v18+s19+$0x0] =	vst.idx.msk $0xffff, v25;
	v18 =	vor.u32 v4, v19;
	v29 =	vor.u32 v24, v28;
	v24 =	vand.u32 $0x398, v26  }
0xc6: {  	[tilespmem:v17+s19+$0x0] =	vst.idx.msk $0xffff, v23;
	v17 =	vor.u32 v5, v19;
	v23 =	vor.u32 v24, v28  }
0xc7: {  	v25 =	vor.u32 v12, v20;
	v24 =	vor.u32 v11, v20;
	v30 =	vld.idx.msk [tilespmem:v21+s12+$0x0], $0xffff;
	v21 =	vor.u32 v6, v19  }
0xc8: {  	v26 =	vor.u32 v8, v19;
	v24 =	vand.u32 $0x3A8, v24;
	v31 =	vld.idx.msk [tilespmem:v27+s12+$0x0], $0xffff;
	v27 =	vor.u32 v13, v20  }
0xc9: {  	v34 =	vor.u32 v14, v20;
	v33 =	vor.u32 v24, v28;
	v32 =	vld.idx.msk [tilespmem:v22+s12+$0x0], $0xffff;
	v22 =	vor.u32 v7, v19  }
0xca: {  	v35 =	vor.u32 v15, v20;
	v36 =	vor.u32 v16, v20;
	v19 =	vld.idx.msk [tilespmem:v18+s12+$0x0], $0xffff  }
0xcb: {  	v20 =	vld.idx.msk [tilespmem:v17+s12+$0x0], $0xffff;
	v17 =	vand.u32 $0x3B8, v25  }
0xcc: {  	v21 =	vld.idx.msk [tilespmem:v21+s12+$0x0], $0xffff;
	v24 =	vor.u32 v17, v28;
	v17 =	vand.u32 $0x3C8, v27  }
.Ltmp6:
0xcd: {  	v18 =	vld.idx.msk [tilespmem:v26+s12+$0x0], $0xffff;
	v26 =	vor.u32 v17, v28;
	v17 =	vand.u32 $0x3D8, v34;
	(pc) =	sbr.rel @p0 .LBB2_9-.Ltmp6, $4  }
0xce: {  	v22 =	vld.idx.msk [tilespmem:v22+s12+$0x0], $0xffff;
	v25 =	vor.u32 v17, v28;
	v17 =	vand.u32 $0x3E8, v35  }
0xcf: {  	[tilespmem:v29+s19+$0x0] =	vst.idx.msk $0xffff, v32;
	v27 =	vor.u32 v17, v28;
	v17 =	vand.u32 $0x3F8, v36  }
0xd0: {  	v29 =	vadd.s32 s25, v0;
	[tilespmem:v23+s19+$0x0] =	vst.idx.msk $0xffff, v31;
	v28 =	vor.u32 v17, v28  }
0xd1: {  	v17 =	vshll.u32 v29, $0x7;
	v23 =	vand.u32 $0x3F, v29;
	[tilespmem:v33+s19+$0x0] =	vst.idx.msk $0xffff, v30  }
0xd2: {  	_ =	sdelay $0x3  }
0xd3: {  	v29 =	vor.u32 v1, v23;
	[tilespmem:v24+s19+$0x0] =	vst.idx.msk $0xffff, v19  }
0xd4: {  	v19 =	vor.u32 v2, v23;
	[tilespmem:v26+s19+$0x0] =	vst.idx.msk $0xffff, v20  }
0xd5: {  	v39 =	vor.u32 v3, v23;
	[tilespmem:v25+s19+$0x0] =	vst.idx.msk $0xffff, v21  }
0xd6: {  	v40 =	vor.u32 v4, v23;
	v41 =	vor.u32 v5, v23;
	[tilespmem:v27+s19+$0x0] =	vst.idx.msk $0xffff, v22  }
0xd7: {  	v42 =	vor.u32 v6, v23;
	v43 =	vor.u32 v0, v17;
	v44 =	vand.u32 $0x1C00, v17;
	[tilespmem:v28+s19+$0x0] =	vst.idx.msk $0xffff, v18  }
0xd8: {  	v45 =	vor.u32 v8, v23;
	v46 =	vor.u32 v7, v23;
	v47 =	vor.u32 v11, v17;
	v24 =	vld.idx.msk [tilespmem:v29+s12+$0x0], $0xffff  }
0xd9: {  	v26 =	vand.u32 $0x388, v43;
	v27 =	vor.u32 v9, v44;
	v18 =	vor.u32 v10, v17;
	v19 =	vld.idx.msk [tilespmem:v19+s12+$0x0], $0xffff  }
0xda: {  	v30 =	vor.u32 v12, v17;
	v26 =	vor.u32 v26, v27;
	v20 =	vld.idx.msk [tilespmem:v39+s12+$0x0], $0xffff;
	v18 =	vand.u32 $0x398, v18  }
0xdb: {  	v31 =	vor.u32 v13, v17;
	v21 =	vld.idx.msk [tilespmem:v40+s12+$0x0], $0xffff;
	v29 =	vand.u32 $0x3A8, v47;
	v18 =	vor.u32 v18, v27  }
0xdc: {  	v32 =	vor.u32 v14, v17;
	v30 =	vand.u32 $0x3B8, v30;
	v22 =	vld.idx.msk [tilespmem:v41+s12+$0x0], $0xffff;
	v29 =	vor.u32 v29, v27  }
0xdd: {  	v33 =	vor.u32 v15, v17;
	v31 =	vand.u32 $0x3C8, v31;
	v30 =	vor.u32 v30, v27;
	v25 =	vld.idx.msk [tilespmem:v42+s12+$0x0], $0xffff  }
0xde: {  	v32 =	vand.u32 $0x3D8, v32;
	v48 =	vand.u32 $0x3E8, v33;
	v31 =	vor.u32 v31, v27;
	v28 =	vld.idx.msk [tilespmem:v45+s12+$0x0], $0xffff  }
0xdf: {  	s25 =	sadd.s32 $0x1, s25;
	v32 =	vor.u32 v32, v27;
	v17 =	vor.u32 v16, v17;
	v23 =	vld.idx.msk [tilespmem:v46+s12+$0x0], $0xffff;
	[tilespmem:v26+s19+$0x0] =	vst.idx.msk $0xffff, v24  }
0xe0: {  	v17 =	vand.u32 $0x3F8, v17;
	[tilespmem:v18+s19+$0x0] =	vst.idx.msk $0xffff, v19;
	v18 =	vor.u32 v48, v27;
	v19 =	vadd.s32 s25, v0  }
0xe1: {  	v17 =	vor.u32 v17, v27;
	[tilespmem:v29+s19+$0x0] =	vst.idx.msk $0xffff, v20;
	v49 =	vand.u32 $0x3F, v19  }
0xe2: {  	[tilespmem:v30+s19+$0x0] =	vst.idx.msk $0xffff, v21;
	v50 =	vor.u32 v3, v49  }
0xe3: {  	v51 =	vor.u32 v2, v49;
	[tilespmem:v31+s19+$0x0] =	vst.idx.msk $0xffff, v22  }
0xe4: {  	v19 =	vshll.u32 v19, $0x7;
	v52 =	vor.u32 v1, v49;
	[tilespmem:v32+s19+$0x0] =	vst.idx.msk $0xffff, v25  }
0xe5: {  	v53 =	vor.u32 v0, v19;
	v54 =	vor.u32 v6, v49;
	[tilespmem:v18+s19+$0x0] =	vst.idx.msk $0xffff, v23  }
0xe6: {  	v55 =	vand.u32 $0x1C00, v19;
	v56 =	vor.u32 v8, v49;
	v57 =	vor.u32 v10, v19;
	[tilespmem:v17+s19+$0x0] =	vst.idx.msk $0xffff, v28  }
0xe7: {  	v20 =	vor.u32 v7, v49;
	v58 =	vor.u32 v11, v19;
	v18 =	vor.u32 v4, v49;
	v21 =	vld.idx.msk [tilespmem:v50+s12+$0x0], $0xffff  }
0xe8: {  	v26 =	vor.u32 v9, v55;
	v23 =	vand.u32 $0x388, v53;
	v17 =	vor.u32 v5, v49;
	v22 =	vld.idx.msk [tilespmem:v51+s12+$0x0], $0xffff  }
0xe9: {  	v59 =	vor.u32 v12, v19;
	v23 =	vor.u32 v23, v26;
	v28 =	vand.u32 $0x398, v57;
	v24 =	vld.idx.msk [tilespmem:v52+s12+$0x0], $0xffff  }
0xea: {  	v60 =	vor.u32 v13, v19;
	v29 =	vand.u32 $0x3A8, v58;
	v28 =	vor.u32 v28, v26;
	v25 =	vld.idx.msk [tilespmem:v54+s12+$0x0], $0xffff  }
0xeb: {  	v61 =	vor.u32 v14, v19;
	v30 =	vand.u32 $0x3B8, v59;
	v29 =	vor.u32 v29, v26;
	v27 =	vld.idx.msk [tilespmem:v56+s12+$0x0], $0xffff  }
0xec: {  	v62 =	vor.u32 v15, v19;
	v31 =	vand.u32 $0x3C8, v60;
	v30 =	vor.u32 v30, v26;
	v18 =	vld.idx.msk [tilespmem:v18+s12+$0x0], $0xffff  }
0xed: {  	v19 =	vor.u32 v16, v19;
	v31 =	vor.u32 v31, v26;
	v32 =	vand.u32 $0x3D8, v61;
	v17 =	vld.idx.msk [tilespmem:v17+s12+$0x0], $0xffff  }
0xee: {  	v33 =	vand.u32 $0x3E8, v62;
	v32 =	vor.u32 v32, v26;
	v20 =	vld.idx.msk [tilespmem:v20+s12+$0x0], $0xffff;
	[tilespmem:v23+s19+$0x0] =	vst.idx.msk $0xffff, v24  }
0xef: {  	v19 =	vand.u32 $0x3F8, v19;
	v63 =	vor.u32 v33, v26;
	[tilespmem:v28+s19+$0x0] =	vst.idx.msk $0xffff, v22  }
0xf0: {  	v19 =	vor.u32 v19, v26;
	[tilespmem:v29+s19+$0x0] =	vst.idx.msk $0xffff, v21  }
0xf1: {  	p0 =	seq.s32 s22, $0x63;
	[tilespmem:v30+s19+$0x0] =	vst.idx.msk $0xffff, v18  }
.Ltmp7:
0xf2: {  	[tilespmem:v31+s19+$0x0] =	vst.idx.msk $0xffff, v17;
	(pc) =	sbr.rel @p0 .LBB2_12-.Ltmp7, $4  }
0xf3: {  	[tilespmem:v32+s19+$0x0] =	vst.idx.msk $0xffff, v25  }
0xf4: {  	[tilespmem:v63+s19+$0x0] =	vst.idx.msk $0xffff, v20  }
0xf5: {  	s24 =	sadd.s32 s24, s7;
	[tilespmem:v19+s19+$0x0] =	vst.idx.msk $0xffff, v27  }
0xf6: {  	[hbm4b:s24+s15] =	stream.strided.scatter [tilespmem:s19], [sflag:$0x4], $0x2000, s16, s15, $0x38;
	[tilespmem:$0xE400] =	vst v63  }
.Ltmp8:
0xf7: {  	(pc) =	sbr.rel .LBB2_2-.Ltmp8, $4  }
0xf8: {  	_ = 	snop  }
0xf9: {  	s23 =	sshrl.u32 s23, $0x2  }
0xfa: {  	s22 =	sadd.s32 $0x1, s22;
	s23 =	sadd.s32 $0x180, s23  }
0xfb: {  	[tilespmem:s12], [sflag:$0x2] =	stream.indirect.gather [hbm4b:s4+s10], $0x40, s23, s10, $0xb8;
	[tilespmem:$0xE400] =	vst v63  }
.LBB2_13:
0xfc: {  	_ =	sfence.sel $0x180000  }
0xfd: {  	[bflag:$0x0] =	sbarrier.arrive $0xFFFF  }
0xfe: {  	p0 =	sne.s32 s0, $0x0;
	_ =	strace $0x9000004A  }
0xff: {  	s0 =	sadd.s32 @!p0 $0x100000, s1;
	[bflag:$0x2] =	sbarrier.arrive $0xFFFF  }
0x100: {  	[sflag:s0] =	ssyncadd.tile.s32 @!p0 $0x1;
	_ =	shalt  }
.Lfunc_end2:
_tile_overlayer_lowered:
.L_overlay_start_2:
0x101: {  	(tag) =	ssettag $0x2  }
0x102: {  	s0 =	rddreg [dreg:$0x0];
	s2 =	stileid.u32  }
0x103: {  	s1 =	rddreg [dreg:$0x1];
	p0 =	sne.s32 s2, $0x0  }
0x104: {  	s3 =	rddreg [dreg:$0x2];
	[bflag:$0x3] =	sbarrier.arrive $0xFFFF;
	s2 =	simm.s32 @!p0 $0x1C05  }
0x105: {  	[timem:s3], [sflag:s2] =	dma.local @!p0 [hbm:s0], s1  }
0x106: {  	s0 =	simm.s32 @!p0 $0x5  }
0x107: {  	_ =	swait.ge @!p0 [sflag:s0], s1  }
0x108: {  	s1 =	ssub.s32 @!p0 $0x0, s1;
	[sflag:s0] =	ssyncset.done @!p0 $0x0  }
0x109: {  	[sflag:s0] =	ssyncadd.s32 @!p0 s1  }
0x10a: {  	[bflag:$0x3] =	sbarrier.arrive $0xFFFF  }
0x10b: {  	_ =	shalt  }

</sc_bundles>
